<compile_context>
chip_gen: v7x
topology: tpu7x:2x2x1
jax: 0.10.2.dev20260603
libtpu: 0.0.44.dev20260713+nightly
codegen_flags: <defaults>
</compile_context>

<pallas_src>
import functools
import jax
import jax.numpy as jnp
from jax import lax
from jax.experimental import pallas as pl
from jax.experimental.pallas import tpu as pltpu
from jax.experimental.pallas import tpu_sc as plsc

NUM_CLASSES = 1000
C, H, W = 3, 32, 32
D = C * H * W
BATCH = 16384
NC, NS = 2, 16
NW = NC * NS
BPW = BATCH // NW
K = 2
NCHUNK = BPW // K
NBUF = 4
LANES = 16
COLS = D // LANES


def _sc_body(means_hbm, stds_hbm, labels_hbm, noise_hbm, out_hbm,
             idx_v, mean_v, std_v, noise_v, out_v, sem_in, sem_out):
    wid = lax.axis_index("s") * NC + lax.axis_index("c")
    base = wid * BPW

    pltpu.sync_copy(labels_hbm.at[wid], idx_v)

    def start_in(b, c):
        row0 = base + c * K
        pltpu.async_copy(means_hbm.at[idx_v.at[c]], mean_v[b], sem_in[b])
        pltpu.async_copy(stds_hbm.at[idx_v.at[c]], std_v[b], sem_in[b])
        pltpu.async_copy(noise_hbm.at[pl.ds(row0, K)], noise_v[b], sem_in[b])

    def wait_in(b):
        pltpu.make_async_copy(means_hbm.at[idx_v.at[0]], mean_v[b],
                              sem_in[b]).wait()
        pltpu.make_async_copy(stds_hbm.at[idx_v.at[0]], std_v[b],
                              sem_in[b]).wait()
        pltpu.make_async_copy(noise_hbm.at[pl.ds(base, K)], noise_v[b],
                              sem_in[b]).wait()

    def start_out(b, c):
        row0 = base + c * K
        pltpu.async_copy(out_v[b], out_hbm.at[pl.ds(row0, K)], sem_out[b])

    def wait_out(b):
        pltpu.make_async_copy(out_v[b], out_hbm.at[pl.ds(base, K)],
                              sem_out[b]).wait()

    for b in range(NBUF):
        start_in(b, b)

    def iteration(i, carry):
        for b in range(NBUF):
            cc = i * NBUF + b
            wait_in(b)

            @pl.when(cc >= NBUF)
            def _():
                wait_out(b)

            def col(j, carry2):
                off = j * LANES
                for k in range(K):
                    n = noise_v[b][k, pl.ds(off, LANES)]
                    m = mean_v[b][k, pl.ds(off, LANES)]
                    s = std_v[b][k, pl.ds(off, LANES)]
                    out_v[b][k, pl.ds(off, LANES)] = m + s * n
                return carry2

            lax.fori_loop(0, COLS, col, 0)
            start_out(b, cc)

            @pl.when(cc + NBUF < NCHUNK)
            def _():
                start_in(b, cc + NBUF)
        return carry

    lax.fori_loop(0, NCHUNK // NBUF, iteration, 0)
    for b in range(NBUF):
        wait_out(b)


@functools.partial(
    pl.kernel,
    out_type=jax.ShapeDtypeStruct((BATCH, D), jnp.float32),
    mesh=plsc.VectorSubcoreMesh(
        core_axis_name="c", subcore_axis_name="s",
        num_cores=NC, num_subcores=NS),
    scratch_types=[
        pltpu.VMEM((NCHUNK, K), jnp.int32),
        [pltpu.VMEM((K, D), jnp.float32) for _ in range(NBUF)],
        [pltpu.VMEM((K, D), jnp.float32) for _ in range(NBUF)],
        [pltpu.VMEM((K, D), jnp.float32) for _ in range(NBUF)],
        [pltpu.VMEM((K, D), jnp.float32) for _ in range(NBUF)],
        [pltpu.SemaphoreType.DMA for _ in range(NBUF)],
        [pltpu.SemaphoreType.DMA for _ in range(NBUF)],
    ],
)
def _sc_embed(means_hbm, stds_hbm, labels_hbm, noise_hbm, out_hbm,
              idx_v, mean_v, std_v, noise_v, out_v, sem_in, sem_out):
    _sc_body(means_hbm, stds_hbm, labels_hbm, noise_hbm, out_hbm,
             idx_v, mean_v, std_v, noise_v, out_v, sem_in, sem_out)


@jax.jit
def kernel(labels, noise, class_means, class_stds):
    out = _sc_embed(class_means.reshape(NUM_CLASSES, D),
                    class_stds.reshape(NUM_CLASSES, D),
                    labels.reshape(NW, NCHUNK, K),
                    noise.reshape(BATCH, D))
    return out.reshape(BATCH, C, H, W)

# --- scband reference (transcript-rebuilt; emitter-appended) ---
"""Pipeline reference for scband-rectangle-embedding-44882408243235 (READ-ONLY COPY).

The authoritative reference and input builder live on the scoring server;
editing this copy changes nothing except your own understanding.
"""

import jax, jax.numpy as jnp
import numpy as np
import math

H, W, C = 32, 32, 3
NUM_CLASSES = 1000
STD_SCALE = 0.3
RH, RW = 8, 8
BATCH = 16384


def _build_means_stds():
    means = np.zeros((NUM_CLASSES, C, H, W), dtype=np.float32)
    stds = np.full((NUM_CLASSES, C, H, W), STD_SCALE, dtype=np.float32)
    cols = math.ceil(math.sqrt(NUM_CLASSES))
    rows = math.ceil(NUM_CLASSES / cols)
    cell_h = H // rows
    cell_w = W // cols
    for i in range(NUM_CLASSES):
        r = i // cols
        c = i % cols
        center_y = r * cell_h + cell_h // 2
        center_x = c * cell_w + cell_w // 2
        y0 = int(center_y - RH / 2)
        x0 = int(center_x - RW / 2)
        y0 = max(0, min(y0, H - RH))
        x0 = max(0, min(x0, W - RW))
        means[i, :, y0:y0 + RH, x0:x0 + RW] = 1.0
    # mode == 'none': no normalization
    return jnp.asarray(means), jnp.asarray(stds)


def setup_inputs(seed: int = 0) -> dict:
    key = jax.random.key(seed)
    k1, k2 = jax.random.split(key)
    labels = jax.random.randint(k1, (BATCH,), 0, NUM_CLASSES, dtype=jnp.int32)
    noise = jax.random.normal(k2, (BATCH, C, H, W), dtype=jnp.float32)
    class_means, class_stds = _build_means_stds()
    return {
        "labels": labels,
        "noise": noise,
        "class_means": class_means,
        "class_stds": class_stds,
    }


def reference(labels, noise, class_means, class_stds):
    # RectangleEmbedding.sample(labels, sample=True):
    #   batch_means = class_means[labels]; batch_stds = class_stds[labels]
    #   return batch_means + batch_stds * noise
    batch_means = jnp.take(class_means, labels, axis=0)
    batch_stds = jnp.take(class_stds, labels, axis=0)
    return batch_means + batch_stds * noise

if __name__ == "__main__":
    import jax
    _d = setup_inputs()
    print(jax.jit(kernel)(*tuple(_d.values())))

</pallas_src>

<mosaic_0001>
#map = affine_map<(d0, d1) -> (0, 0)>
#map1 = affine_map<(d0, d1) -> (0, 0, 0)>
module attributes {stable_mosaic.version = 14 : i64} {
  func.func @_sc_embed(%arg0: i32, %arg1: i32, %arg2: memref<1000x3072xf32, #tpu.memory_space<hbm>>, %arg3: memref<1000x3072xf32, #tpu.memory_space<hbm>>, %arg4: memref<32x256x2xi32, #tpu.memory_space<hbm>>, %arg5: memref<16384x3072xf32, #tpu.memory_space<hbm>>, %arg6: memref<16384x3072xf32, #tpu.memory_space<hbm>>, %arg7: memref<256x2xi32, #tpu.memory_space<vmem>>, %arg8: memref<2x3072xf32, #tpu.memory_space<vmem>>, %arg9: memref<2x3072xf32, #tpu.memory_space<vmem>>, %arg10: memref<2x3072xf32, #tpu.memory_space<vmem>>, %arg11: memref<2x3072xf32, #tpu.memory_space<vmem>>, %arg12: memref<2x3072xf32, #tpu.memory_space<vmem>>, %arg13: memref<2x3072xf32, #tpu.memory_space<vmem>>, %arg14: memref<2x3072xf32, #tpu.memory_space<vmem>>, %arg15: memref<2x3072xf32, #tpu.memory_space<vmem>>, %arg16: memref<2x3072xf32, #tpu.memory_space<vmem>>, %arg17: memref<2x3072xf32, #tpu.memory_space<vmem>>, %arg18: memref<2x3072xf32, #tpu.memory_space<vmem>>, %arg19: memref<2x3072xf32, #tpu.memory_space<vmem>>, %arg20: memref<2x3072xf32, #tpu.memory_space<vmem>>, %arg21: memref<2x3072xf32, #tpu.memory_space<vmem>>, %arg22: memref<2x3072xf32, #tpu.memory_space<vmem>>, %arg23: memref<2x3072xf32, #tpu.memory_space<vmem>>, %arg24: memref<!tpu.dma_semaphore, #tpu.memory_space<semaphore_mem>>, %arg25: memref<!tpu.dma_semaphore, #tpu.memory_space<semaphore_mem>>, %arg26: memref<!tpu.dma_semaphore, #tpu.memory_space<semaphore_mem>>, %arg27: memref<!tpu.dma_semaphore, #tpu.memory_space<semaphore_mem>>, %arg28: memref<!tpu.dma_semaphore, #tpu.memory_space<semaphore_mem>>, %arg29: memref<!tpu.dma_semaphore, #tpu.memory_space<semaphore_mem>>, %arg30: memref<!tpu.dma_semaphore, #tpu.memory_space<semaphore_mem>>, %arg31: memref<!tpu.dma_semaphore, #tpu.memory_space<semaphore_mem>>) attributes {dimension_semantics = [#tpu.dimension_semantics<core_parallel>, #tpu.dimension_semantics<subcore_parallel>], iteration_bounds = array<i64: 2, 16>, scalar_prefetch = 0 : i64, scratch_operands = 25 : i64, tpu.core_type = #tpu.core_type<sc_vector_subcore>, window_params = [{transform_indices = #map}, {transform_indices = #map}, {transform_indices = #map1}, {transform_indices = #map}, {transform_indices = #map}]} {
    %mul3A = arith.constant 2 : i32
    %mul3A_0 = arith.muli %arg1, %mul3A : i32
    %add3A = arith.addi %mul3A_0, %arg0 : i32
    %mul3A_1 = arith.constant 512 : i32
    %mul3A_2 = arith.muli %add3A, %mul3A_1 : i32
    "tpu.region"() ({
      %run_scoped3A = tpu.sem_alloc : memref<!tpu.dma_semaphore, #tpu.memory_space<semaphore_mem>>
      %dma_start3A_102 = arith.constant 0 : i32
      %dma_start3A_103 = arith.constant 0 : i32
      %dma_start3A_104 = tpu.memref_slice %arg4[%add3A, %dma_start3A_102, %dma_start3A_103] : memref<32x256x2xi32, #tpu.memory_space<hbm>> -> memref<1x256x2xi32, #tpu.memory_space<hbm>>
      %dma_start3A_105 = tpu.memref_squeeze %dma_start3A_104 : memref<1x256x2xi32, #tpu.memory_space<hbm>> -> memref<256x2xi32, #tpu.memory_space<hbm>>
      %dma_start3A_106 = arith.constant 0 : i32
      %dma_start3A_107 = arith.constant 0 : i32
      %dma_start3A_108 = tpu.memref_slice %arg4[%add3A, %dma_start3A_106, %dma_start3A_107] : memref<32x256x2xi32, #tpu.memory_space<hbm>> -> memref<1x256x2xi32, #tpu.memory_space<hbm>>
      %dma_start3A_109 = tpu.memref_squeeze %dma_start3A_108 : memref<1x256x2xi32, #tpu.memory_space<hbm>> -> memref<256x2xi32, #tpu.memory_space<hbm>>
      tpu.enqueue_dma source(%dma_start3A_109 : memref<256x2xi32, #tpu.memory_space<hbm>>) target(%arg7 : memref<256x2xi32, #tpu.memory_space<vmem>>) target_semaphore(%run_scoped3A : memref<!tpu.dma_semaphore, #tpu.memory_space<semaphore_mem>>)
      %dma_wait3A_110 = arith.constant 0 : i32
      %dma_wait3A_111 = arith.constant 0 : i32
      %dma_wait3A_112 = tpu.memref_slice %arg4[%add3A, %dma_wait3A_110, %dma_wait3A_111] : memref<32x256x2xi32, #tpu.memory_space<hbm>> -> memref<1x256x2xi32, #tpu.memory_space<hbm>>
      %dma_wait3A_113 = tpu.memref_squeeze %dma_wait3A_112 : memref<1x256x2xi32, #tpu.memory_space<hbm>> -> memref<256x2xi32, #tpu.memory_space<hbm>>
      %dma_wait3A_114 = arith.constant 0 : i32
      %dma_wait3A_115 = arith.constant 0 : i32
      %dma_wait3A_116 = tpu.memref_slice %arg4[%add3A, %dma_wait3A_114, %dma_wait3A_115] : memref<32x256x2xi32, #tpu.memory_space<hbm>> -> memref<1x256x2xi32, #tpu.memory_space<hbm>>
      %dma_wait3A_117 = tpu.memref_squeeze %dma_wait3A_116 : memref<1x256x2xi32, #tpu.memory_space<hbm>> -> memref<256x2xi32, #tpu.memory_space<hbm>>
      tpu.wait_dma2 semaphore(%run_scoped3A : memref<!tpu.dma_semaphore, #tpu.memory_space<semaphore_mem>>) src(%dma_wait3A_117 : memref<256x2xi32, #tpu.memory_space<hbm>>) dst(%arg7 : memref<256x2xi32, #tpu.memory_space<vmem>>)
      tpu.yield
    }) : () -> ()
    %add3A_3 = arith.constant 0 : i32
    %add3A_4 = arith.addi %mul3A_2, %add3A_3 : i32
    %dma_start3A = arith.constant 0 : i32
    %dma_start3A_5 = arith.constant 0 : i32
    %dma_start3A_6 = tpu.memref_slice %arg7[%dma_start3A, %dma_start3A_5] : memref<256x2xi32, #tpu.memory_space<vmem>> -> memref<1x2xi32, #tpu.memory_space<vmem>>
    %dma_start3A_7 = tpu.memref_squeeze %dma_start3A_6 : memref<1x2xi32, #tpu.memory_space<vmem>> -> memref<2xi32, #tpu.memory_space<vmem>>
    %dma_start3A_8 = arith.constant 0 : i32
    %dma_start3A_9 = arith.constant 0 : i32
    %dma_start3A_10 = tpu.memref_slice %arg2[%dma_start3A_8, %dma_start3A_9] : memref<1000x3072xf32, #tpu.memory_space<hbm>> -> memref<1000x3072xf32, #tpu.memory_space<hbm>>
    tpu.enqueue_indirect_dma source(%dma_start3A_10 : memref<1000x3072xf32, #tpu.memory_space<hbm>>) target(%arg8 : memref<2x3072xf32, #tpu.memory_space<vmem>>) offsets(%dma_start3A_7 : memref<2xi32, #tpu.memory_space<vmem>>) semaphore(%arg24 : memref<!tpu.dma_semaphore, #tpu.memory_space<semaphore_mem>>)
    %dma_start3A_11 = arith.constant 0 : i32
    %dma_start3A_12 = arith.constant 0 : i32
    %dma_start3A_13 = tpu.memref_slice %arg7[%dma_start3A_11, %dma_start3A_12] : memref<256x2xi32, #tpu.memory_space<vmem>> -> memref<1x2xi32, #tpu.memory_space<vmem>>
    %dma_start3A_14 = tpu.memref_squeeze %dma_start3A_13 : memref<1x2xi32, #tpu.memory_space<vmem>> -> memref<2xi32, #tpu.memory_space<vmem>>
    %dma_start3A_15 = arith.constant 0 : i32
    %dma_start3A_16 = arith.constant 0 : i32
    %dma_start3A_17 = tpu.memref_slice %arg3[%dma_start3A_15, %dma_start3A_16] : memref<1000x3072xf32, #tpu.memory_space<hbm>> -> memref<1000x3072xf32, #tpu.memory_space<hbm>>
    tpu.enqueue_indirect_dma source(%dma_start3A_17 : memref<1000x3072xf32, #tpu.memory_space<hbm>>) target(%arg12 : memref<2x3072xf32, #tpu.memory_space<vmem>>) offsets(%dma_start3A_14 : memref<2xi32, #tpu.memory_space<vmem>>) semaphore(%arg24 : memref<!tpu.dma_semaphore, #tpu.memory_space<semaphore_mem>>)
    %dma_start3A_18 = arith.constant 0 : i32
    %dma_start3A_19 = tpu.memref_slice %arg5[%add3A_4, %dma_start3A_18] : memref<16384x3072xf32, #tpu.memory_space<hbm>> -> memref<2x3072xf32, #tpu.memory_space<hbm>>
    %dma_start3A_20 = arith.constant 0 : i32
    %dma_start3A_21 = tpu.memref_slice %arg5[%add3A_4, %dma_start3A_20] : memref<16384x3072xf32, #tpu.memory_space<hbm>> -> memref<2x3072xf32, #tpu.memory_space<hbm>>
    tpu.enqueue_dma source(%dma_start3A_21 : memref<2x3072xf32, #tpu.memory_space<hbm>>) target(%arg16 : memref<2x3072xf32, #tpu.memory_space<vmem>>) target_semaphore(%arg24 : memref<!tpu.dma_semaphore, #tpu.memory_space<semaphore_mem>>)
    %add3A_22 = arith.constant 2 : i32
    %add3A_23 = arith.addi %mul3A_2, %add3A_22 : i32
    %dma_start3A_24 = arith.constant 1 : i32
    %dma_start3A_25 = arith.constant 0 : i32
    %dma_start3A_26 = tpu.memref_slice %arg7[%dma_start3A_24, %dma_start3A_25] : memref<256x2xi32, #tpu.memory_space<vmem>> -> memref<1x2xi32, #tpu.memory_space<vmem>>
    %dma_start3A_27 = tpu.memref_squeeze %dma_start3A_26 : memref<1x2xi32, #tpu.memory_space<vmem>> -> memref<2xi32, #tpu.memory_space<vmem>>
    %dma_start3A_28 = arith.constant 0 : i32
    %dma_start3A_29 = arith.constant 0 : i32
    %dma_start3A_30 = tpu.memref_slice %arg2[%dma_start3A_28, %dma_start3A_29] : memref<1000x3072xf32, #tpu.memory_space<hbm>> -> memref<1000x3072xf32, #tpu.memory_space<hbm>>
    tpu.enqueue_indirect_dma source(%dma_start3A_30 : memref<1000x3072xf32, #tpu.memory_space<hbm>>) target(%arg9 : memref<2x3072xf32, #tpu.memory_space<vmem>>) offsets(%dma_start3A_27 : memref<2xi32, #tpu.memory_space<vmem>>) semaphore(%arg25 : memref<!tpu.dma_semaphore, #tpu.memory_space<semaphore_mem>>)
    %dma_start3A_31 = arith.constant 1 : i32
    %dma_start3A_32 = arith.constant 0 : i32
    %dma_start3A_33 = tpu.memref_slice %arg7[%dma_start3A_31, %dma_start3A_32] : memref<256x2xi32, #tpu.memory_space<vmem>> -> memref<1x2xi32, #tpu.memory_space<vmem>>
    %dma_start3A_34 = tpu.memref_squeeze %dma_start3A_33 : memref<1x2xi32, #tpu.memory_space<vmem>> -> memref<2xi32, #tpu.memory_space<vmem>>
    %dma_start3A_35 = arith.constant 0 : i32
    %dma_start3A_36 = arith.constant 0 : i32
    %dma_start3A_37 = tpu.memref_slice %arg3[%dma_start3A_35, %dma_start3A_36] : memref<1000x3072xf32, #tpu.memory_space<hbm>> -> memref<1000x3072xf32, #tpu.memory_space<hbm>>
    tpu.enqueue_indirect_dma source(%dma_start3A_37 : memref<1000x3072xf32, #tpu.memory_space<hbm>>) target(%arg13 : memref<2x3072xf32, #tpu.memory_space<vmem>>) offsets(%dma_start3A_34 : memref<2xi32, #tpu.memory_space<vmem>>) semaphore(%arg25 : memref<!tpu.dma_semaphore, #tpu.memory_space<semaphore_mem>>)
    %dma_start3A_38 = arith.constant 0 : i32
    %dma_start3A_39 = tpu.memref_slice %arg5[%add3A_23, %dma_start3A_38] : memref<16384x3072xf32, #tpu.memory_space<hbm>> -> memref<2x3072xf32, #tpu.memory_space<hbm>>
    %dma_start3A_40 = arith.constant 0 : i32
    %dma_start3A_41 = tpu.memref_slice %arg5[%add3A_23, %dma_start3A_40] : memref<16384x3072xf32, #tpu.memory_space<hbm>> -> memref<2x3072xf32, #tpu.memory_space<hbm>>
    tpu.enqueue_dma source(%dma_start3A_41 : memref<2x3072xf32, #tpu.memory_space<hbm>>) target(%arg17 : memref<2x3072xf32, #tpu.memory_space<vmem>>) target_semaphore(%arg25 : memref<!tpu.dma_semaphore, #tpu.memory_space<semaphore_mem>>)
    %add3A_42 = arith.constant 4 : i32
    %add3A_43 = arith.addi %mul3A_2, %add3A_42 : i32
    %dma_start3A_44 = arith.constant 2 : i32
    %dma_start3A_45 = arith.constant 0 : i32
    %dma_start3A_46 = tpu.memref_slice %arg7[%dma_start3A_44, %dma_start3A_45] : memref<256x2xi32, #tpu.memory_space<vmem>> -> memref<1x2xi32, #tpu.memory_space<vmem>>
    %dma_start3A_47 = tpu.memref_squeeze %dma_start3A_46 : memref<1x2xi32, #tpu.memory_space<vmem>> -> memref<2xi32, #tpu.memory_space<vmem>>
    %dma_start3A_48 = arith.constant 0 : i32
    %dma_start3A_49 = arith.constant 0 : i32
    %dma_start3A_50 = tpu.memref_slice %arg2[%dma_start3A_48, %dma_start3A_49] : memref<1000x3072xf32, #tpu.memory_space<hbm>> -> memref<1000x3072xf32, #tpu.memory_space<hbm>>
    tpu.enqueue_indirect_dma source(%dma_start3A_50 : memref<1000x3072xf32, #tpu.memory_space<hbm>>) target(%arg10 : memref<2x3072xf32, #tpu.memory_space<vmem>>) offsets(%dma_start3A_47 : memref<2xi32, #tpu.memory_space<vmem>>) semaphore(%arg26 : memref<!tpu.dma_semaphore, #tpu.memory_space<semaphore_mem>>)
    %dma_start3A_51 = arith.constant 2 : i32
    %dma_start3A_52 = arith.constant 0 : i32
    %dma_start3A_53 = tpu.memref_slice %arg7[%dma_start3A_51, %dma_start3A_52] : memref<256x2xi32, #tpu.memory_space<vmem>> -> memref<1x2xi32, #tpu.memory_space<vmem>>
    %dma_start3A_54 = tpu.memref_squeeze %dma_start3A_53 : memref<1x2xi32, #tpu.memory_space<vmem>> -> memref<2xi32, #tpu.memory_space<vmem>>
    %dma_start3A_55 = arith.constant 0 : i32
    %dma_start3A_56 = arith.constant 0 : i32
    %dma_start3A_57 = tpu.memref_slice %arg3[%dma_start3A_55, %dma_start3A_56] : memref<1000x3072xf32, #tpu.memory_space<hbm>> -> memref<1000x3072xf32, #tpu.memory_space<hbm>>
    tpu.enqueue_indirect_dma source(%dma_start3A_57 : memref<1000x3072xf32, #tpu.memory_space<hbm>>) target(%arg14 : memref<2x3072xf32, #tpu.memory_space<vmem>>) offsets(%dma_start3A_54 : memref<2xi32, #tpu.memory_space<vmem>>) semaphore(%arg26 : memref<!tpu.dma_semaphore, #tpu.memory_space<semaphore_mem>>)
    %dma_start3A_58 = arith.constant 0 : i32
    %dma_start3A_59 = tpu.memref_slice %arg5[%add3A_43, %dma_start3A_58] : memref<16384x3072xf32, #tpu.memory_space<hbm>> -> memref<2x3072xf32, #tpu.memory_space<hbm>>
    %dma_start3A_60 = arith.constant 0 : i32
    %dma_start3A_61 = tpu.memref_slice %arg5[%add3A_43, %dma_start3A_60] : memref<16384x3072xf32, #tpu.memory_space<hbm>> -> memref<2x3072xf32, #tpu.memory_space<hbm>>
    tpu.enqueue_dma source(%dma_start3A_61 : memref<2x3072xf32, #tpu.memory_space<hbm>>) target(%arg18 : memref<2x3072xf32, #tpu.memory_space<vmem>>) target_semaphore(%arg26 : memref<!tpu.dma_semaphore, #tpu.memory_space<semaphore_mem>>)
    %add3A_62 = arith.constant 6 : i32
    %add3A_63 = arith.addi %mul3A_2, %add3A_62 : i32
    %dma_start3A_64 = arith.constant 3 : i32
    %dma_start3A_65 = arith.constant 0 : i32
    %dma_start3A_66 = tpu.memref_slice %arg7[%dma_start3A_64, %dma_start3A_65] : memref<256x2xi32, #tpu.memory_space<vmem>> -> memref<1x2xi32, #tpu.memory_space<vmem>>
    %dma_start3A_67 = tpu.memref_squeeze %dma_start3A_66 : memref<1x2xi32, #tpu.memory_space<vmem>> -> memref<2xi32, #tpu.memory_space<vmem>>
    %dma_start3A_68 = arith.constant 0 : i32
    %dma_start3A_69 = arith.constant 0 : i32
    %dma_start3A_70 = tpu.memref_slice %arg2[%dma_start3A_68, %dma_start3A_69] : memref<1000x3072xf32, #tpu.memory_space<hbm>> -> memref<1000x3072xf32, #tpu.memory_space<hbm>>
    tpu.enqueue_indirect_dma source(%dma_start3A_70 : memref<1000x3072xf32, #tpu.memory_space<hbm>>) target(%arg11 : memref<2x3072xf32, #tpu.memory_space<vmem>>) offsets(%dma_start3A_67 : memref<2xi32, #tpu.memory_space<vmem>>) semaphore(%arg27 : memref<!tpu.dma_semaphore, #tpu.memory_space<semaphore_mem>>)
    %dma_start3A_71 = arith.constant 3 : i32
    %dma_start3A_72 = arith.constant 0 : i32
    %dma_start3A_73 = tpu.memref_slice %arg7[%dma_start3A_71, %dma_start3A_72] : memref<256x2xi32, #tpu.memory_space<vmem>> -> memref<1x2xi32, #tpu.memory_space<vmem>>
    %dma_start3A_74 = tpu.memref_squeeze %dma_start3A_73 : memref<1x2xi32, #tpu.memory_space<vmem>> -> memref<2xi32, #tpu.memory_space<vmem>>
    %dma_start3A_75 = arith.constant 0 : i32
    %dma_start3A_76 = arith.constant 0 : i32
    %dma_start3A_77 = tpu.memref_slice %arg3[%dma_start3A_75, %dma_start3A_76] : memref<1000x3072xf32, #tpu.memory_space<hbm>> -> memref<1000x3072xf32, #tpu.memory_space<hbm>>
    tpu.enqueue_indirect_dma source(%dma_start3A_77 : memref<1000x3072xf32, #tpu.memory_space<hbm>>) target(%arg15 : memref<2x3072xf32, #tpu.memory_space<vmem>>) offsets(%dma_start3A_74 : memref<2xi32, #tpu.memory_space<vmem>>) semaphore(%arg27 : memref<!tpu.dma_semaphore, #tpu.memory_space<semaphore_mem>>)
    %dma_start3A_78 = arith.constant 0 : i32
    %dma_start3A_79 = tpu.memref_slice %arg5[%add3A_63, %dma_start3A_78] : memref<16384x3072xf32, #tpu.memory_space<hbm>> -> memref<2x3072xf32, #tpu.memory_space<hbm>>
    %dma_start3A_80 = arith.constant 0 : i32
    %dma_start3A_81 = tpu.memref_slice %arg5[%add3A_63, %dma_start3A_80] : memref<16384x3072xf32, #tpu.memory_space<hbm>> -> memref<2x3072xf32, #tpu.memory_space<hbm>>
    tpu.enqueue_dma source(%dma_start3A_81 : memref<2x3072xf32, #tpu.memory_space<hbm>>) target(%arg19 : memref<2x3072xf32, #tpu.memory_space<vmem>>) target_semaphore(%arg27 : memref<!tpu.dma_semaphore, #tpu.memory_space<semaphore_mem>>)
    %scan3A = arith.constant 0 : i32
    %scan3A_82 = arith.constant 0 : i32
    %scan3A_83 = arith.constant 64 : i32
    %scan3A_84 = arith.addi %scan3A_82, %scan3A_83 : i32
    %scan3A_85 = arith.constant 1 : i32
    scf.for %scan3A_102 = %scan3A_82 to %scan3A_84 step %scan3A_85  : i32 {
      %mul3A_103 = arith.constant 4 : i32
      %mul3A_104 = arith.muli %scan3A_102, %mul3A_103 : i32
      %add3A_105 = arith.constant 0 : i32
      %add3A_106 = arith.addi %mul3A_104, %add3A_105 : i32
      %dma_wait3A_107 = arith.constant 0 : i32
      %dma_wait3A_108 = arith.constant 0 : i32
      %dma_wait3A_109 = tpu.memref_slice %arg7[%dma_wait3A_107, %dma_wait3A_108] : memref<256x2xi32, #tpu.memory_space<vmem>> -> memref<1x2xi32, #tpu.memory_space<vmem>>
      %dma_wait3A_110 = tpu.memref_squeeze %dma_wait3A_109 : memref<1x2xi32, #tpu.memory_space<vmem>> -> memref<2xi32, #tpu.memory_space<vmem>>
      %dma_wait3A_111 = arith.constant 0 : i32
      %dma_wait3A_112 = arith.constant 0 : i32
      %dma_wait3A_113 = tpu.memref_slice %arg2[%dma_wait3A_111, %dma_wait3A_112] : memref<1000x3072xf32, #tpu.memory_space<hbm>> -> memref<1000x3072xf32, #tpu.memory_space<hbm>>
      tpu.wait_indirect_dma semaphore(%arg24 : memref<!tpu.dma_semaphore, #tpu.memory_space<semaphore_mem>>) src(%dma_wait3A_113 : memref<1000x3072xf32, #tpu.memory_space<hbm>>) dst(%arg8 : memref<2x3072xf32, #tpu.memory_space<vmem>>)
      %dma_wait3A_114 = arith.constant 0 : i32
      %dma_wait3A_115 = arith.constant 0 : i32
      %dma_wait3A_116 = tpu.memref_slice %arg7[%dma_wait3A_114, %dma_wait3A_115] : memref<256x2xi32, #tpu.memory_space<vmem>> -> memref<1x2xi32, #tpu.memory_space<vmem>>
      %dma_wait3A_117 = tpu.memref_squeeze %dma_wait3A_116 : memref<1x2xi32, #tpu.memory_space<vmem>> -> memref<2xi32, #tpu.memory_space<vmem>>
      %dma_wait3A_118 = arith.constant 0 : i32
      %dma_wait3A_119 = arith.constant 0 : i32
      %dma_wait3A_120 = tpu.memref_slice %arg3[%dma_wait3A_118, %dma_wait3A_119] : memref<1000x3072xf32, #tpu.memory_space<hbm>> -> memref<1000x3072xf32, #tpu.memory_space<hbm>>
      tpu.wait_indirect_dma semaphore(%arg24 : memref<!tpu.dma_semaphore, #tpu.memory_space<semaphore_mem>>) src(%dma_wait3A_120 : memref<1000x3072xf32, #tpu.memory_space<hbm>>) dst(%arg12 : memref<2x3072xf32, #tpu.memory_space<vmem>>)
      %dma_wait3A_121 = arith.constant 0 : i32
      %dma_wait3A_122 = tpu.memref_slice %arg5[%mul3A_2, %dma_wait3A_121] : memref<16384x3072xf32, #tpu.memory_space<hbm>> -> memref<2x3072xf32, #tpu.memory_space<hbm>>
      %dma_wait3A_123 = arith.constant 0 : i32
      %dma_wait3A_124 = tpu.memref_slice %arg5[%mul3A_2, %dma_wait3A_123] : memref<16384x3072xf32, #tpu.memory_space<hbm>> -> memref<2x3072xf32, #tpu.memory_space<hbm>>
      tpu.wait_dma2 semaphore(%arg24 : memref<!tpu.dma_semaphore, #tpu.memory_space<semaphore_mem>>) src(%dma_wait3A_124 : memref<2x3072xf32, #tpu.memory_space<hbm>>) dst(%arg16 : memref<2x3072xf32, #tpu.memory_space<vmem>>)
      %ge3A = arith.constant 4 : i32
      %ge3A_125 = arith.cmpi sge, %add3A_106, %ge3A : i32
      %convert_element_type3A = arith.extui %ge3A_125 : i1 to i32
      %cond3A = arith.constant 0 : i32
      %cond3A_126 = arith.cmpi ne, %convert_element_type3A, %cond3A : i32
      scf.if %cond3A_126 {
        %dma_wait3A_287 = arith.constant 0 : i32
        %dma_wait3A_288 = tpu.memref_slice %arg6[%mul3A_2, %dma_wait3A_287] : memref<16384x3072xf32, #tpu.memory_space<hbm>> -> memref<2x3072xf32, #tpu.memory_space<hbm>>
        %dma_wait3A_289 = arith.constant 0 : i32
        %dma_wait3A_290 = tpu.memref_slice %arg6[%mul3A_2, %dma_wait3A_289] : memref<16384x3072xf32, #tpu.memory_space<hbm>> -> memref<2x3072xf32, #tpu.memory_space<hbm>>
        tpu.wait_dma2 semaphore(%arg28 : memref<!tpu.dma_semaphore, #tpu.memory_space<semaphore_mem>>) src(%arg20 : memref<2x3072xf32, #tpu.memory_space<vmem>>) dst(%dma_wait3A_290 : memref<2x3072xf32, #tpu.memory_space<hbm>>)
      } else {
      }
      %scan3A_127 = arith.constant 0 : i32
      %scan3A_128 = arith.constant 0 : i32
      %scan3A_129 = arith.constant 192 : i32
      %scan3A_130 = arith.addi %scan3A_128, %scan3A_129 : i32
      %scan3A_131 = arith.constant 1 : i32
      scf.for %scan3A_287 = %scan3A_128 to %scan3A_130 step %scan3A_131  : i32 {
        %mul3A_288 = arith.constant 16 : i32
        %mul3A_289 = arith.muli %scan3A_287, %mul3A_288 : i32
        %get3A = arith.constant 0 : i32
        %get3A_290 = arith.index_cast %get3A : i32 to index
        %get3A_291 = arith.index_cast %mul3A_289 : i32 to index
        %get3A_292 = tpu.vector_load %arg16[%get3A_290, %get3A_291] {strides = array<i32>} : memref<2x3072xf32, #tpu.memory_space<vmem>>, vector<1x16xf32>,
        %get3A_293 = vector.shape_cast %get3A_292 : vector<1x16xf32> to vector<16xf32>
        %get3A_294 = arith.constant 0 : i32
        %get3A_295 = arith.index_cast %get3A_294 : i32 to index
        %get3A_296 = arith.index_cast %mul3A_289 : i32 to index
        %get3A_297 = tpu.vector_load %arg8[%get3A_295, %get3A_296] {strides = array<i32>} : memref<2x3072xf32, #tpu.memory_space<vmem>>, vector<1x16xf32>,
        %get3A_298 = vector.shape_cast %get3A_297 : vector<1x16xf32> to vector<16xf32>
        %get3A_299 = arith.constant 0 : i32
        %get3A_300 = arith.index_cast %get3A_299 : i32 to index
        %get3A_301 = arith.index_cast %mul3A_289 : i32 to index
        %get3A_302 = tpu.vector_load %arg12[%get3A_300, %get3A_301] {strides = array<i32>} : memref<2x3072xf32, #tpu.memory_space<vmem>>, vector<1x16xf32>,
        %get3A_303 = vector.shape_cast %get3A_302 : vector<1x16xf32> to vector<16xf32>
        %mul3A_304 = arith.mulf %get3A_303, %get3A_293 : vector<16xf32>
        %add3A_305 = arith.addf %get3A_298, %mul3A_304 : vector<16xf32>
        %swap3A = arith.constant 0 : i32
        %swap3A_306 = arith.index_cast %swap3A : i32 to index
        %swap3A_307 = arith.index_cast %mul3A_289 : i32 to index
        %swap3A_308 = tpu.vector_load %arg20[%swap3A_306, %swap3A_307] {strides = array<i32>} : memref<2x3072xf32, #tpu.memory_space<vmem>>, vector<1x16xf32>,
        %swap3A_309 = vector.shape_cast %swap3A_308 : vector<1x16xf32> to vector<16xf32>
        %swap3A_310 = vector.shape_cast %add3A_305 : vector<16xf32> to vector<1x16xf32>
        tpu.vector_store %arg20[%swap3A_306, %swap3A_307], %swap3A_310 {strides = array<i32>} : memref<2x3072xf32, #tpu.memory_space<vmem>>, vector<1x16xf32>,
        %get3A_311 = arith.constant 1 : i32
        %get3A_312 = arith.index_cast %get3A_311 : i32 to index
        %get3A_313 = arith.index_cast %mul3A_289 : i32 to index
        %get3A_314 = tpu.vector_load %arg16[%get3A_312, %get3A_313] {strides = array<i32>} : memref<2x3072xf32, #tpu.memory_space<vmem>>, vector<1x16xf32>,
        %get3A_315 = vector.shape_cast %get3A_314 : vector<1x16xf32> to vector<16xf32>
        %get3A_316 = arith.constant 1 : i32
        %get3A_317 = arith.index_cast %get3A_316 : i32 to index
        %get3A_318 = arith.index_cast %mul3A_289 : i32 to index
        %get3A_319 = tpu.vector_load %arg8[%get3A_317, %get3A_318] {strides = array<i32>} : memref<2x3072xf32, #tpu.memory_space<vmem>>, vector<1x16xf32>,
        %get3A_320 = vector.shape_cast %get3A_319 : vector<1x16xf32> to vector<16xf32>
        %get3A_321 = arith.constant 1 : i32
        %get3A_322 = arith.index_cast %get3A_321 : i32 to index
        %get3A_323 = arith.index_cast %mul3A_289 : i32 to index
        %get3A_324 = tpu.vector_load %arg12[%get3A_322, %get3A_323] {strides = array<i32>} : memref<2x3072xf32, #tpu.memory_space<vmem>>, vector<1x16xf32>,
        %get3A_325 = vector.shape_cast %get3A_324 : vector<1x16xf32> to vector<16xf32>
        %mul3A_326 = arith.mulf %get3A_325, %get3A_315 : vector<16xf32>
        %add3A_327 = arith.addf %get3A_320, %mul3A_326 : vector<16xf32>
        %swap3A_328 = arith.constant 1 : i32
        %swap3A_329 = arith.index_cast %swap3A_328 : i32 to index
        %swap3A_330 = arith.index_cast %mul3A_289 : i32 to index
        %swap3A_331 = tpu.vector_load %arg20[%swap3A_329, %swap3A_330] {strides = array<i32>} : memref<2x3072xf32, #tpu.memory_space<vmem>>, vector<1x16xf32>,
        %swap3A_332 = vector.shape_cast %swap3A_331 : vector<1x16xf32> to vector<16xf32>
        %swap3A_333 = vector.shape_cast %add3A_327 : vector<16xf32> to vector<1x16xf32>
        tpu.vector_store %arg20[%swap3A_329, %swap3A_330], %swap3A_333 {strides = array<i32>} : memref<2x3072xf32, #tpu.memory_space<vmem>>, vector<1x16xf32>,
      }
      %scan3A_132 = arith.constant 192 : i32
      %mul3A_133 = arith.constant 2 : i32
      %mul3A_134 = arith.muli %add3A_106, %mul3A_133 : i32
      %add3A_135 = arith.addi %mul3A_2, %mul3A_134 : i32
      %dma_start3A_136 = arith.constant 0 : i32
      %dma_start3A_137 = tpu.memref_slice %arg6[%add3A_135, %dma_start3A_136] : memref<16384x3072xf32, #tpu.memory_space<hbm>> -> memref<2x3072xf32, #tpu.memory_space<hbm>>
      %dma_start3A_138 = arith.constant 0 : i32
      %dma_start3A_139 = tpu.memref_slice %arg6[%add3A_135, %dma_start3A_138] : memref<16384x3072xf32, #tpu.memory_space<hbm>> -> memref<2x3072xf32, #tpu.memory_space<hbm>>
      tpu.enqueue_dma source(%arg20 : memref<2x3072xf32, #tpu.memory_space<vmem>>) target(%dma_start3A_139 : memref<2x3072xf32, #tpu.memory_space<hbm>>) target_semaphore(%arg28 : memref<!tpu.dma_semaphore, #tpu.memory_space<semaphore_mem>>)
      %add3A_140 = arith.constant 4 : i32
      %add3A_141 = arith.addi %add3A_106, %add3A_140 : i32
      %lt3A = arith.constant 256 : i32
      %lt3A_142 = arith.cmpi slt, %add3A_141, %lt3A : i32
      %convert_element_type3A_143 = arith.extui %lt3A_142 : i1 to i32
      %cond3A_144 = arith.constant 0 : i32
      %cond3A_145 = arith.cmpi ne, %convert_element_type3A_143, %cond3A_144 : i32
      scf.if %cond3A_145 {
        %add3A_287 = arith.constant 4 : i32
        %add3A_288 = arith.addi %add3A_106, %add3A_287 : i32
        %mul3A_289 = arith.constant 2 : i32
        %mul3A_290 = arith.muli %add3A_288, %mul3A_289 : i32
        %add3A_291 = arith.addi %mul3A_2, %mul3A_290 : i32
        %dma_start3A_292 = arith.constant 0 : i32
        %dma_start3A_293 = tpu.memref_slice %arg7[%add3A_288, %dma_start3A_292] : memref<256x2xi32, #tpu.memory_space<vmem>> -> memref<1x2xi32, #tpu.memory_space<vmem>>
        %dma_start3A_294 = tpu.memref_squeeze %dma_start3A_293 : memref<1x2xi32, #tpu.memory_space<vmem>> -> memref<2xi32, #tpu.memory_space<vmem>>
        %dma_start3A_295 = arith.constant 0 : i32
        %dma_start3A_296 = arith.constant 0 : i32
        %dma_start3A_297 = tpu.memref_slice %arg2[%dma_start3A_295, %dma_start3A_296] : memref<1000x3072xf32, #tpu.memory_space<hbm>> -> memref<1000x3072xf32, #tpu.memory_space<hbm>>
        tpu.enqueue_indirect_dma source(%dma_start3A_297 : memref<1000x3072xf32, #tpu.memory_space<hbm>>) target(%arg8 : memref<2x3072xf32, #tpu.memory_space<vmem>>) offsets(%dma_start3A_294 : memref<2xi32, #tpu.memory_space<vmem>>) semaphore(%arg24 : memref<!tpu.dma_semaphore, #tpu.memory_space<semaphore_mem>>)
        %dma_start3A_298 = arith.constant 0 : i32
        %dma_start3A_299 = tpu.memref_slice %arg7[%add3A_288, %dma_start3A_298] : memref<256x2xi32, #tpu.memory_space<vmem>> -> memref<1x2xi32, #tpu.memory_space<vmem>>
        %dma_start3A_300 = tpu.memref_squeeze %dma_start3A_299 : memref<1x2xi32, #tpu.memory_space<vmem>> -> memref<2xi32, #tpu.memory_space<vmem>>
        %dma_start3A_301 = arith.constant 0 : i32
        %dma_start3A_302 = arith.constant 0 : i32
        %dma_start3A_303 = tpu.memref_slice %arg3[%dma_start3A_301, %dma_start3A_302] : memref<1000x3072xf32, #tpu.memory_space<hbm>> -> memref<1000x3072xf32, #tpu.memory_space<hbm>>
        tpu.enqueue_indirect_dma source(%dma_start3A_303 : memref<1000x3072xf32, #tpu.memory_space<hbm>>) target(%arg12 : memref<2x3072xf32, #tpu.memory_space<vmem>>) offsets(%dma_start3A_300 : memref<2xi32, #tpu.memory_space<vmem>>) semaphore(%arg24 : memref<!tpu.dma_semaphore, #tpu.memory_space<semaphore_mem>>)
        %dma_start3A_304 = arith.constant 0 : i32
        %dma_start3A_305 = tpu.memref_slice %arg5[%add3A_291, %dma_start3A_304] : memref<16384x3072xf32, #tpu.memory_space<hbm>> -> memref<2x3072xf32, #tpu.memory_space<hbm>>
        %dma_start3A_306 = arith.constant 0 : i32
        %dma_start3A_307 = tpu.memref_slice %arg5[%add3A_291, %dma_start3A_306] : memref<16384x3072xf32, #tpu.memory_space<hbm>> -> memref<2x3072xf32, #tpu.memory_space<hbm>>
        tpu.enqueue_dma source(%dma_start3A_307 : memref<2x3072xf32, #tpu.memory_space<hbm>>) target(%arg16 : memref<2x3072xf32, #tpu.memory_space<vmem>>) target_semaphore(%arg24 : memref<!tpu.dma_semaphore, #tpu.memory_space<semaphore_mem>>)
      } else {
      }
      %mul3A_146 = arith.constant 4 : i32
      %mul3A_147 = arith.muli %scan3A_102, %mul3A_146 : i32
      %add3A_148 = arith.constant 1 : i32
      %add3A_149 = arith.addi %mul3A_147, %add3A_148 : i32
      %dma_wait3A_150 = arith.constant 0 : i32
      %dma_wait3A_151 = arith.constant 0 : i32
      %dma_wait3A_152 = tpu.memref_slice %arg7[%dma_wait3A_150, %dma_wait3A_151] : memref<256x2xi32, #tpu.memory_space<vmem>> -> memref<1x2xi32, #tpu.memory_space<vmem>>
      %dma_wait3A_153 = tpu.memref_squeeze %dma_wait3A_152 : memref<1x2xi32, #tpu.memory_space<vmem>> -> memref<2xi32, #tpu.memory_space<vmem>>
      %dma_wait3A_154 = arith.constant 0 : i32
      %dma_wait3A_155 = arith.constant 0 : i32
      %dma_wait3A_156 = tpu.memref_slice %arg2[%dma_wait3A_154, %dma_wait3A_155] : memref<1000x3072xf32, #tpu.memory_space<hbm>> -> memref<1000x3072xf32, #tpu.memory_space<hbm>>
      tpu.wait_indirect_dma semaphore(%arg25 : memref<!tpu.dma_semaphore, #tpu.memory_space<semaphore_mem>>) src(%dma_wait3A_156 : memref<1000x3072xf32, #tpu.memory_space<hbm>>) dst(%arg9 : memref<2x3072xf32, #tpu.memory_space<vmem>>)
      %dma_wait3A_157 = arith.constant 0 : i32
      %dma_wait3A_158 = arith.constant 0 : i32
      %dma_wait3A_159 = tpu.memref_slice %arg7[%dma_wait3A_157, %dma_wait3A_158] : memref<256x2xi32, #tpu.memory_space<vmem>> -> memref<1x2xi32, #tpu.memory_space<vmem>>
      %dma_wait3A_160 = tpu.memref_squeeze %dma_wait3A_159 : memref<1x2xi32, #tpu.memory_space<vmem>> -> memref<2xi32, #tpu.memory_space<vmem>>
      %dma_wait3A_161 = arith.constant 0 : i32
      %dma_wait3A_162 = arith.constant 0 : i32
      %dma_wait3A_163 = tpu.memref_slice %arg3[%dma_wait3A_161, %dma_wait3A_162] : memref<1000x3072xf32, #tpu.memory_space<hbm>> -> memref<1000x3072xf32, #tpu.memory_space<hbm>>
      tpu.wait_indirect_dma semaphore(%arg25 : memref<!tpu.dma_semaphore, #tpu.memory_space<semaphore_mem>>) src(%dma_wait3A_163 : memref<1000x3072xf32, #tpu.memory_space<hbm>>) dst(%arg13 : memref<2x3072xf32, #tpu.memory_space<vmem>>)
      %dma_wait3A_164 = arith.constant 0 : i32
      %dma_wait3A_165 = tpu.memref_slice %arg5[%mul3A_2, %dma_wait3A_164] : memref<16384x3072xf32, #tpu.memory_space<hbm>> -> memref<2x3072xf32, #tpu.memory_space<hbm>>
      %dma_wait3A_166 = arith.constant 0 : i32
      %dma_wait3A_167 = tpu.memref_slice %arg5[%mul3A_2, %dma_wait3A_166] : memref<16384x3072xf32, #tpu.memory_space<hbm>> -> memref<2x3072xf32, #tpu.memory_space<hbm>>
      tpu.wait_dma2 semaphore(%arg25 : memref<!tpu.dma_semaphore, #tpu.memory_space<semaphore_mem>>) src(%dma_wait3A_167 : memref<2x3072xf32, #tpu.memory_space<hbm>>) dst(%arg17 : memref<2x3072xf32, #tpu.memory_space<vmem>>)
      %ge3A_168 = arith.constant 4 : i32
      %ge3A_169 = arith.cmpi sge, %add3A_149, %ge3A_168 : i32
      %convert_element_type3A_170 = arith.extui %ge3A_169 : i1 to i32
      %cond3A_171 = arith.constant 0 : i32
      %cond3A_172 = arith.cmpi ne, %convert_element_type3A_170, %cond3A_171 : i32
      scf.if %cond3A_172 {
        %dma_wait3A_287 = arith.constant 0 : i32
        %dma_wait3A_288 = tpu.memref_slice %arg6[%mul3A_2, %dma_wait3A_287] : memref<16384x3072xf32, #tpu.memory_space<hbm>> -> memref<2x3072xf32, #tpu.memory_space<hbm>>
        %dma_wait3A_289 = arith.constant 0 : i32
        %dma_wait3A_290 = tpu.memref_slice %arg6[%mul3A_2, %dma_wait3A_289] : memref<16384x3072xf32, #tpu.memory_space<hbm>> -> memref<2x3072xf32, #tpu.memory_space<hbm>>
        tpu.wait_dma2 semaphore(%arg29 : memref<!tpu.dma_semaphore, #tpu.memory_space<semaphore_mem>>) src(%arg21 : memref<2x3072xf32, #tpu.memory_space<vmem>>) dst(%dma_wait3A_290 : memref<2x3072xf32, #tpu.memory_space<hbm>>)
      } else {
      }
      %scan3A_173 = arith.constant 0 : i32
      %scan3A_174 = arith.constant 0 : i32
      %scan3A_175 = arith.constant 192 : i32
      %scan3A_176 = arith.addi %scan3A_174, %scan3A_175 : i32
      %scan3A_177 = arith.constant 1 : i32
      scf.for %scan3A_287 = %scan3A_174 to %scan3A_176 step %scan3A_177  : i32 {
        %mul3A_288 = arith.constant 16 : i32
        %mul3A_289 = arith.muli %scan3A_287, %mul3A_288 : i32
        %get3A = arith.constant 0 : i32
        %get3A_290 = arith.index_cast %get3A : i32 to index
        %get3A_291 = arith.index_cast %mul3A_289 : i32 to index
        %get3A_292 = tpu.vector_load %arg17[%get3A_290, %get3A_291] {strides = array<i32>} : memref<2x3072xf32, #tpu.memory_space<vmem>>, vector<1x16xf32>,
        %get3A_293 = vector.shape_cast %get3A_292 : vector<1x16xf32> to vector<16xf32>
        %get3A_294 = arith.constant 0 : i32
        %get3A_295 = arith.index_cast %get3A_294 : i32 to index
        %get3A_296 = arith.index_cast %mul3A_289 : i32 to index
        %get3A_297 = tpu.vector_load %arg9[%get3A_295, %get3A_296] {strides = array<i32>} : memref<2x3072xf32, #tpu.memory_space<vmem>>, vector<1x16xf32>,
        %get3A_298 = vector.shape_cast %get3A_297 : vector<1x16xf32> to vector<16xf32>
        %get3A_299 = arith.constant 0 : i32
        %get3A_300 = arith.index_cast %get3A_299 : i32 to index
        %get3A_301 = arith.index_cast %mul3A_289 : i32 to index
        %get3A_302 = tpu.vector_load %arg13[%get3A_300, %get3A_301] {strides = array<i32>} : memref<2x3072xf32, #tpu.memory_space<vmem>>, vector<1x16xf32>,
        %get3A_303 = vector.shape_cast %get3A_302 : vector<1x16xf32> to vector<16xf32>
        %mul3A_304 = arith.mulf %get3A_303, %get3A_293 : vector<16xf32>
        %add3A_305 = arith.addf %get3A_298, %mul3A_304 : vector<16xf32>
        %swap3A = arith.constant 0 : i32
        %swap3A_306 = arith.index_cast %swap3A : i32 to index
        %swap3A_307 = arith.index_cast %mul3A_289 : i32 to index
        %swap3A_308 = tpu.vector_load %arg21[%swap3A_306, %swap3A_307] {strides = array<i32>} : memref<2x3072xf32, #tpu.memory_space<vmem>>, vector<1x16xf32>,
        %swap3A_309 = vector.shape_cast %swap3A_308 : vector<1x16xf32> to vector<16xf32>
        %swap3A_310 = vector.shape_cast %add3A_305 : vector<16xf32> to vector<1x16xf32>
        tpu.vector_store %arg21[%swap3A_306, %swap3A_307], %swap3A_310 {strides = array<i32>} : memref<2x3072xf32, #tpu.memory_space<vmem>>, vector<1x16xf32>,
        %get3A_311 = arith.constant 1 : i32
        %get3A_312 = arith.index_cast %get3A_311 : i32 to index
        %get3A_313 = arith.index_cast %mul3A_289 : i32 to index
        %get3A_314 = tpu.vector_load %arg17[%get3A_312, %get3A_313] {strides = array<i32>} : memref<2x3072xf32, #tpu.memory_space<vmem>>, vector<1x16xf32>,
        %get3A_315 = vector.shape_cast %get3A_314 : vector<1x16xf32> to vector<16xf32>
        %get3A_316 = arith.constant 1 : i32
        %get3A_317 = arith.index_cast %get3A_316 : i32 to index
        %get3A_318 = arith.index_cast %mul3A_289 : i32 to index
        %get3A_319 = tpu.vector_load %arg9[%get3A_317, %get3A_318] {strides = array<i32>} : memref<2x3072xf32, #tpu.memory_space<vmem>>, vector<1x16xf32>,
        %get3A_320 = vector.shape_cast %get3A_319 : vector<1x16xf32> to vector<16xf32>
        %get3A_321 = arith.constant 1 : i32
        %get3A_322 = arith.index_cast %get3A_321 : i32 to index
        %get3A_323 = arith.index_cast %mul3A_289 : i32 to index
        %get3A_324 = tpu.vector_load %arg13[%get3A_322, %get3A_323] {strides = array<i32>} : memref<2x3072xf32, #tpu.memory_space<vmem>>, vector<1x16xf32>,
        %get3A_325 = vector.shape_cast %get3A_324 : vector<1x16xf32> to vector<16xf32>
        %mul3A_326 = arith.mulf %get3A_325, %get3A_315 : vector<16xf32>
        %add3A_327 = arith.addf %get3A_320, %mul3A_326 : vector<16xf32>
        %swap3A_328 = arith.constant 1 : i32
        %swap3A_329 = arith.index_cast %swap3A_328 : i32 to index
        %swap3A_330 = arith.index_cast %mul3A_289 : i32 to index
        %swap3A_331 = tpu.vector_load %arg21[%swap3A_329, %swap3A_330] {strides = array<i32>} : memref<2x3072xf32, #tpu.memory_space<vmem>>, vector<1x16xf32>,
        %swap3A_332 = vector.shape_cast %swap3A_331 : vector<1x16xf32> to vector<16xf32>
        %swap3A_333 = vector.shape_cast %add3A_327 : vector<16xf32> to vector<1x16xf32>
        tpu.vector_store %arg21[%swap3A_329, %swap3A_330], %swap3A_333 {strides = array<i32>} : memref<2x3072xf32, #tpu.memory_space<vmem>>, vector<1x16xf32>,
      }
      %scan3A_178 = arith.constant 192 : i32
      %mul3A_179 = arith.constant 2 : i32
      %mul3A_180 = arith.muli %add3A_149, %mul3A_179 : i32
      %add3A_181 = arith.addi %mul3A_2, %mul3A_180 : i32
      %dma_start3A_182 = arith.constant 0 : i32
      %dma_start3A_183 = tpu.memref_slice %arg6[%add3A_181, %dma_start3A_182] : memref<16384x3072xf32, #tpu.memory_space<hbm>> -> memref<2x3072xf32, #tpu.memory_space<hbm>>
      %dma_start3A_184 = arith.constant 0 : i32
      %dma_start3A_185 = tpu.memref_slice %arg6[%add3A_181, %dma_start3A_184] : memref<16384x3072xf32, #tpu.memory_space<hbm>> -> memref<2x3072xf32, #tpu.memory_space<hbm>>
      tpu.enqueue_dma source(%arg21 : memref<2x3072xf32, #tpu.memory_space<vmem>>) target(%dma_start3A_185 : memref<2x3072xf32, #tpu.memory_space<hbm>>) target_semaphore(%arg29 : memref<!tpu.dma_semaphore, #tpu.memory_space<semaphore_mem>>)
      %add3A_186 = arith.constant 4 : i32
      %add3A_187 = arith.addi %add3A_149, %add3A_186 : i32
      %lt3A_188 = arith.constant 256 : i32
      %lt3A_189 = arith.cmpi slt, %add3A_187, %lt3A_188 : i32
      %convert_element_type3A_190 = arith.extui %lt3A_189 : i1 to i32
      %cond3A_191 = arith.constant 0 : i32
      %cond3A_192 = arith.cmpi ne, %convert_element_type3A_190, %cond3A_191 : i32
      scf.if %cond3A_192 {
        %add3A_287 = arith.constant 4 : i32
        %add3A_288 = arith.addi %add3A_149, %add3A_287 : i32
        %mul3A_289 = arith.constant 2 : i32
        %mul3A_290 = arith.muli %add3A_288, %mul3A_289 : i32
        %add3A_291 = arith.addi %mul3A_2, %mul3A_290 : i32
        %dma_start3A_292 = arith.constant 0 : i32
        %dma_start3A_293 = tpu.memref_slice %arg7[%add3A_288, %dma_start3A_292] : memref<256x2xi32, #tpu.memory_space<vmem>> -> memref<1x2xi32, #tpu.memory_space<vmem>>
        %dma_start3A_294 = tpu.memref_squeeze %dma_start3A_293 : memref<1x2xi32, #tpu.memory_space<vmem>> -> memref<2xi32, #tpu.memory_space<vmem>>
        %dma_start3A_295 = arith.constant 0 : i32
        %dma_start3A_296 = arith.constant 0 : i32
        %dma_start3A_297 = tpu.memref_slice %arg2[%dma_start3A_295, %dma_start3A_296] : memref<1000x3072xf32, #tpu.memory_space<hbm>> -> memref<1000x3072xf32, #tpu.memory_space<hbm>>
        tpu.enqueue_indirect_dma source(%dma_start3A_297 : memref<1000x3072xf32, #tpu.memory_space<hbm>>) target(%arg9 : memref<2x3072xf32, #tpu.memory_space<vmem>>) offsets(%dma_start3A_294 : memref<2xi32, #tpu.memory_space<vmem>>) semaphore(%arg25 : memref<!tpu.dma_semaphore, #tpu.memory_space<semaphore_mem>>)
        %dma_start3A_298 = arith.constant 0 : i32
        %dma_start3A_299 = tpu.memref_slice %arg7[%add3A_288, %dma_start3A_298] : memref<256x2xi32, #tpu.memory_space<vmem>> -> memref<1x2xi32, #tpu.memory_space<vmem>>
        %dma_start3A_300 = tpu.memref_squeeze %dma_start3A_299 : memref<1x2xi32, #tpu.memory_space<vmem>> -> memref<2xi32, #tpu.memory_space<vmem>>
        %dma_start3A_301 = arith.constant 0 : i32
        %dma_start3A_302 = arith.constant 0 : i32
        %dma_start3A_303 = tpu.memref_slice %arg3[%dma_start3A_301, %dma_start3A_302] : memref<1000x3072xf32, #tpu.memory_space<hbm>> -> memref<1000x3072xf32, #tpu.memory_space<hbm>>
        tpu.enqueue_indirect_dma source(%dma_start3A_303 : memref<1000x3072xf32, #tpu.memory_space<hbm>>) target(%arg13 : memref<2x3072xf32, #tpu.memory_space<vmem>>) offsets(%dma_start3A_300 : memref<2xi32, #tpu.memory_space<vmem>>) semaphore(%arg25 : memref<!tpu.dma_semaphore, #tpu.memory_space<semaphore_mem>>)
        %dma_start3A_304 = arith.constant 0 : i32
        %dma_start3A_305 = tpu.memref_slice %arg5[%add3A_291, %dma_start3A_304] : memref<16384x3072xf32, #tpu.memory_space<hbm>> -> memref<2x3072xf32, #tpu.memory_space<hbm>>
        %dma_start3A_306 = arith.constant 0 : i32
        %dma_start3A_307 = tpu.memref_slice %arg5[%add3A_291, %dma_start3A_306] : memref<16384x3072xf32, #tpu.memory_space<hbm>> -> memref<2x3072xf32, #tpu.memory_space<hbm>>
        tpu.enqueue_dma source(%dma_start3A_307 : memref<2x3072xf32, #tpu.memory_space<hbm>>) target(%arg17 : memref<2x3072xf32, #tpu.memory_space<vmem>>) target_semaphore(%arg25 : memref<!tpu.dma_semaphore, #tpu.memory_space<semaphore_mem>>)
      } else {
      }
      %mul3A_193 = arith.constant 4 : i32
      %mul3A_194 = arith.muli %scan3A_102, %mul3A_193 : i32
      %add3A_195 = arith.constant 2 : i32
      %add3A_196 = arith.addi %mul3A_194, %add3A_195 : i32
      %dma_wait3A_197 = arith.constant 0 : i32
      %dma_wait3A_198 = arith.constant 0 : i32
      %dma_wait3A_199 = tpu.memref_slice %arg7[%dma_wait3A_197, %dma_wait3A_198] : memref<256x2xi32, #tpu.memory_space<vmem>> -> memref<1x2xi32, #tpu.memory_space<vmem>>
      %dma_wait3A_200 = tpu.memref_squeeze %dma_wait3A_199 : memref<1x2xi32, #tpu.memory_space<vmem>> -> memref<2xi32, #tpu.memory_space<vmem>>
      %dma_wait3A_201 = arith.constant 0 : i32
      %dma_wait3A_202 = arith.constant 0 : i32
      %dma_wait3A_203 = tpu.memref_slice %arg2[%dma_wait3A_201, %dma_wait3A_202] : memref<1000x3072xf32, #tpu.memory_space<hbm>> -> memref<1000x3072xf32, #tpu.memory_space<hbm>>
      tpu.wait_indirect_dma semaphore(%arg26 : memref<!tpu.dma_semaphore, #tpu.memory_space<semaphore_mem>>) src(%dma_wait3A_203 : memref<1000x3072xf32, #tpu.memory_space<hbm>>) dst(%arg10 : memref<2x3072xf32, #tpu.memory_space<vmem>>)
      %dma_wait3A_204 = arith.constant 0 : i32
      %dma_wait3A_205 = arith.constant 0 : i32
      %dma_wait3A_206 = tpu.memref_slice %arg7[%dma_wait3A_204, %dma_wait3A_205] : memref<256x2xi32, #tpu.memory_space<vmem>> -> memref<1x2xi32, #tpu.memory_space<vmem>>
      %dma_wait3A_207 = tpu.memref_squeeze %dma_wait3A_206 : memref<1x2xi32, #tpu.memory_space<vmem>> -> memref<2xi32, #tpu.memory_space<vmem>>
      %dma_wait3A_208 = arith.constant 0 : i32
      %dma_wait3A_209 = arith.constant 0 : i32
      %dma_wait3A_210 = tpu.memref_slice %arg3[%dma_wait3A_208, %dma_wait3A_209] : memref<1000x3072xf32, #tpu.memory_space<hbm>> -> memref<1000x3072xf32, #tpu.memory_space<hbm>>
      tpu.wait_indirect_dma semaphore(%arg26 : memref<!tpu.dma_semaphore, #tpu.memory_space<semaphore_mem>>) src(%dma_wait3A_210 : memref<1000x3072xf32, #tpu.memory_space<hbm>>) dst(%arg14 : memref<2x3072xf32, #tpu.memory_space<vmem>>)
      %dma_wait3A_211 = arith.constant 0 : i32
      %dma_wait3A_212 = tpu.memref_slice %arg5[%mul3A_2, %dma_wait3A_211] : memref<16384x3072xf32, #tpu.memory_space<hbm>> -> memref<2x3072xf32, #tpu.memory_space<hbm>>
      %dma_wait3A_213 = arith.constant 0 : i32
      %dma_wait3A_214 = tpu.memref_slice %arg5[%mul3A_2, %dma_wait3A_213] : memref<16384x3072xf32, #tpu.memory_space<hbm>> -> memref<2x3072xf32, #tpu.memory_space<hbm>>
      tpu.wait_dma2 semaphore(%arg26 : memref<!tpu.dma_semaphore, #tpu.memory_space<semaphore_mem>>) src(%dma_wait3A_214 : memref<2x3072xf32, #tpu.memory_space<hbm>>) dst(%arg18 : memref<2x3072xf32, #tpu.memory_space<vmem>>)
      %ge3A_215 = arith.constant 4 : i32
      %ge3A_216 = arith.cmpi sge, %add3A_196, %ge3A_215 : i32
      %convert_element_type3A_217 = arith.extui %ge3A_216 : i1 to i32
      %cond3A_218 = arith.constant 0 : i32
      %cond3A_219 = arith.cmpi ne, %convert_element_type3A_217, %cond3A_218 : i32
      scf.if %cond3A_219 {
        %dma_wait3A_287 = arith.constant 0 : i32
        %dma_wait3A_288 = tpu.memref_slice %arg6[%mul3A_2, %dma_wait3A_287] : memref<16384x3072xf32, #tpu.memory_space<hbm>> -> memref<2x3072xf32, #tpu.memory_space<hbm>>
        %dma_wait3A_289 = arith.constant 0 : i32
        %dma_wait3A_290 = tpu.memref_slice %arg6[%mul3A_2, %dma_wait3A_289] : memref<16384x3072xf32, #tpu.memory_space<hbm>> -> memref<2x3072xf32, #tpu.memory_space<hbm>>
        tpu.wait_dma2 semaphore(%arg30 : memref<!tpu.dma_semaphore, #tpu.memory_space<semaphore_mem>>) src(%arg22 : memref<2x3072xf32, #tpu.memory_space<vmem>>) dst(%dma_wait3A_290 : memref<2x3072xf32, #tpu.memory_space<hbm>>)
      } else {
      }
      %scan3A_220 = arith.constant 0 : i32
      %scan3A_221 = arith.constant 0 : i32
      %scan3A_222 = arith.constant 192 : i32
      %scan3A_223 = arith.addi %scan3A_221, %scan3A_222 : i32
      %scan3A_224 = arith.constant 1 : i32
      scf.for %scan3A_287 = %scan3A_221 to %scan3A_223 step %scan3A_224  : i32 {
        %mul3A_288 = arith.constant 16 : i32
        %mul3A_289 = arith.muli %scan3A_287, %mul3A_288 : i32
        %get3A = arith.constant 0 : i32
        %get3A_290 = arith.index_cast %get3A : i32 to index
        %get3A_291 = arith.index_cast %mul3A_289 : i32 to index
        %get3A_292 = tpu.vector_load %arg18[%get3A_290, %get3A_291] {strides = array<i32>} : memref<2x3072xf32, #tpu.memory_space<vmem>>, vector<1x16xf32>,
        %get3A_293 = vector.shape_cast %get3A_292 : vector<1x16xf32> to vector<16xf32>
        %get3A_294 = arith.constant 0 : i32
        %get3A_295 = arith.index_cast %get3A_294 : i32 to index
        %get3A_296 = arith.index_cast %mul3A_289 : i32 to index
        %get3A_297 = tpu.vector_load %arg10[%get3A_295, %get3A_296] {strides = array<i32>} : memref<2x3072xf32, #tpu.memory_space<vmem>>, vector<1x16xf32>,
        %get3A_298 = vector.shape_cast %get3A_297 : vector<1x16xf32> to vector<16xf32>
        %get3A_299 = arith.constant 0 : i32
        %get3A_300 = arith.index_cast %get3A_299 : i32 to index
        %get3A_301 = arith.index_cast %mul3A_289 : i32 to index
        %get3A_302 = tpu.vector_load %arg14[%get3A_300, %get3A_301] {strides = array<i32>} : memref<2x3072xf32, #tpu.memory_space<vmem>>, vector<1x16xf32>,
        %get3A_303 = vector.shape_cast %get3A_302 : vector<1x16xf32> to vector<16xf32>
        %mul3A_304 = arith.mulf %get3A_303, %get3A_293 : vector<16xf32>
        %add3A_305 = arith.addf %get3A_298, %mul3A_304 : vector<16xf32>
        %swap3A = arith.constant 0 : i32
        %swap3A_306 = arith.index_cast %swap3A : i32 to index
        %swap3A_307 = arith.index_cast %mul3A_289 : i32 to index
        %swap3A_308 = tpu.vector_load %arg22[%swap3A_306, %swap3A_307] {strides = array<i32>} : memref<2x3072xf32, #tpu.memory_space<vmem>>, vector<1x16xf32>,
        %swap3A_309 = vector.shape_cast %swap3A_308 : vector<1x16xf32> to vector<16xf32>
        %swap3A_310 = vector.shape_cast %add3A_305 : vector<16xf32> to vector<1x16xf32>
        tpu.vector_store %arg22[%swap3A_306, %swap3A_307], %swap3A_310 {strides = array<i32>} : memref<2x3072xf32, #tpu.memory_space<vmem>>, vector<1x16xf32>,
        %get3A_311 = arith.constant 1 : i32
        %get3A_312 = arith.index_cast %get3A_311 : i32 to index
        %get3A_313 = arith.index_cast %mul3A_289 : i32 to index
        %get3A_314 = tpu.vector_load %arg18[%get3A_312, %get3A_313] {strides = array<i32>} : memref<2x3072xf32, #tpu.memory_space<vmem>>, vector<1x16xf32>,
        %get3A_315 = vector.shape_cast %get3A_314 : vector<1x16xf32> to vector<16xf32>
        %get3A_316 = arith.constant 1 : i32
        %get3A_317 = arith.index_cast %get3A_316 : i32 to index
        %get3A_318 = arith.index_cast %mul3A_289 : i32 to index
        %get3A_319 = tpu.vector_load %arg10[%get3A_317, %get3A_318] {strides = array<i32>} : memref<2x3072xf32, #tpu.memory_space<vmem>>, vector<1x16xf32>,
        %get3A_320 = vector.shape_cast %get3A_319 : vector<1x16xf32> to vector<16xf32>
        %get3A_321 = arith.constant 1 : i32
        %get3A_322 = arith.index_cast %get3A_321 : i32 to index
        %get3A_323 = arith.index_cast %mul3A_289 : i32 to index
        %get3A_324 = tpu.vector_load %arg14[%get3A_322, %get3A_323] {strides = array<i32>} : memref<2x3072xf32, #tpu.memory_space<vmem>>, vector<1x16xf32>,
        %get3A_325 = vector.shape_cast %get3A_324 : vector<1x16xf32> to vector<16xf32>
        %mul3A_326 = arith.mulf %get3A_325, %get3A_315 : vector<16xf32>
        %add3A_327 = arith.addf %get3A_320, %mul3A_326 : vector<16xf32>
        %swap3A_328 = arith.constant 1 : i32
        %swap3A_329 = arith.index_cast %swap3A_328 : i32 to index
        %swap3A_330 = arith.index_cast %mul3A_289 : i32 to index
        %swap3A_331 = tpu.vector_load %arg22[%swap3A_329, %swap3A_330] {strides = array<i32>} : memref<2x3072xf32, #tpu.memory_space<vmem>>, vector<1x16xf32>,
        %swap3A_332 = vector.shape_cast %swap3A_331 : vector<1x16xf32> to vector<16xf32>
        %swap3A_333 = vector.shape_cast %add3A_327 : vector<16xf32> to vector<1x16xf32>
        tpu.vector_store %arg22[%swap3A_329, %swap3A_330], %swap3A_333 {strides = array<i32>} : memref<2x3072xf32, #tpu.memory_space<vmem>>, vector<1x16xf32>,
      }
      %scan3A_225 = arith.constant 192 : i32
      %mul3A_226 = arith.constant 2 : i32
      %mul3A_227 = arith.muli %add3A_196, %mul3A_226 : i32
      %add3A_228 = arith.addi %mul3A_2, %mul3A_227 : i32
      %dma_start3A_229 = arith.constant 0 : i32
      %dma_start3A_230 = tpu.memref_slice %arg6[%add3A_228, %dma_start3A_229] : memref<16384x3072xf32, #tpu.memory_space<hbm>> -> memref<2x3072xf32, #tpu.memory_space<hbm>>
      %dma_start3A_231 = arith.constant 0 : i32
      %dma_start3A_232 = tpu.memref_slice %arg6[%add3A_228, %dma_start3A_231] : memref<16384x3072xf32, #tpu.memory_space<hbm>> -> memref<2x3072xf32, #tpu.memory_space<hbm>>
      tpu.enqueue_dma source(%arg22 : memref<2x3072xf32, #tpu.memory_space<vmem>>) target(%dma_start3A_232 : memref<2x3072xf32, #tpu.memory_space<hbm>>) target_semaphore(%arg30 : memref<!tpu.dma_semaphore, #tpu.memory_space<semaphore_mem>>)
      %add3A_233 = arith.constant 4 : i32
      %add3A_234 = arith.addi %add3A_196, %add3A_233 : i32
      %lt3A_235 = arith.constant 256 : i32
      %lt3A_236 = arith.cmpi slt, %add3A_234, %lt3A_235 : i32
      %convert_element_type3A_237 = arith.extui %lt3A_236 : i1 to i32
      %cond3A_238 = arith.constant 0 : i32
      %cond3A_239 = arith.cmpi ne, %convert_element_type3A_237, %cond3A_238 : i32
      scf.if %cond3A_239 {
        %add3A_287 = arith.constant 4 : i32
        %add3A_288 = arith.addi %add3A_196, %add3A_287 : i32
        %mul3A_289 = arith.constant 2 : i32
        %mul3A_290 = arith.muli %add3A_288, %mul3A_289 : i32
        %add3A_291 = arith.addi %mul3A_2, %mul3A_290 : i32
        %dma_start3A_292 = arith.constant 0 : i32
        %dma_start3A_293 = tpu.memref_slice %arg7[%add3A_288, %dma_start3A_292] : memref<256x2xi32, #tpu.memory_space<vmem>> -> memref<1x2xi32, #tpu.memory_space<vmem>>
        %dma_start3A_294 = tpu.memref_squeeze %dma_start3A_293 : memref<1x2xi32, #tpu.memory_space<vmem>> -> memref<2xi32, #tpu.memory_space<vmem>>
        %dma_start3A_295 = arith.constant 0 : i32
        %dma_start3A_296 = arith.constant 0 : i32
        %dma_start3A_297 = tpu.memref_slice %arg2[%dma_start3A_295, %dma_start3A_296] : memref<1000x3072xf32, #tpu.memory_space<hbm>> -> memref<1000x3072xf32, #tpu.memory_space<hbm>>
        tpu.enqueue_indirect_dma source(%dma_start3A_297 : memref<1000x3072xf32, #tpu.memory_space<hbm>>) target(%arg10 : memref<2x3072xf32, #tpu.memory_space<vmem>>) offsets(%dma_start3A_294 : memref<2xi32, #tpu.memory_space<vmem>>) semaphore(%arg26 : memref<!tpu.dma_semaphore, #tpu.memory_space<semaphore_mem>>)
        %dma_start3A_298 = arith.constant 0 : i32
        %dma_start3A_299 = tpu.memref_slice %arg7[%add3A_288, %dma_start3A_298] : memref<256x2xi32, #tpu.memory_space<vmem>> -> memref<1x2xi32, #tpu.memory_space<vmem>>
        %dma_start3A_300 = tpu.memref_squeeze %dma_start3A_299 : memref<1x2xi32, #tpu.memory_space<vmem>> -> memref<2xi32, #tpu.memory_space<vmem>>
        %dma_start3A_301 = arith.constant 0 : i32
        %dma_start3A_302 = arith.constant 0 : i32
        %dma_start3A_303 = tpu.memref_slice %arg3[%dma_start3A_301, %dma_start3A_302] : memref<1000x3072xf32, #tpu.memory_space<hbm>> -> memref<1000x3072xf32, #tpu.memory_space<hbm>>
        tpu.enqueue_indirect_dma source(%dma_start3A_303 : memref<1000x3072xf32, #tpu.memory_space<hbm>>) target(%arg14 : memref<2x3072xf32, #tpu.memory_space<vmem>>) offsets(%dma_start3A_300 : memref<2xi32, #tpu.memory_space<vmem>>) semaphore(%arg26 : memref<!tpu.dma_semaphore, #tpu.memory_space<semaphore_mem>>)
        %dma_start3A_304 = arith.constant 0 : i32
        %dma_start3A_305 = tpu.memref_slice %arg5[%add3A_291, %dma_start3A_304] : memref<16384x3072xf32, #tpu.memory_space<hbm>> -> memref<2x3072xf32, #tpu.memory_space<hbm>>
        %dma_start3A_306 = arith.constant 0 : i32
        %dma_start3A_307 = tpu.memref_slice %arg5[%add3A_291, %dma_start3A_306] : memref<16384x3072xf32, #tpu.memory_space<hbm>> -> memref<2x3072xf32, #tpu.memory_space<hbm>>
        tpu.enqueue_dma source(%dma_start3A_307 : memref<2x3072xf32, #tpu.memory_space<hbm>>) target(%arg18 : memref<2x3072xf32, #tpu.memory_space<vmem>>) target_semaphore(%arg26 : memref<!tpu.dma_semaphore, #tpu.memory_space<semaphore_mem>>)
      } else {
      }
      %mul3A_240 = arith.constant 4 : i32
      %mul3A_241 = arith.muli %scan3A_102, %mul3A_240 : i32
      %add3A_242 = arith.constant 3 : i32
      %add3A_243 = arith.addi %mul3A_241, %add3A_242 : i32
      %dma_wait3A_244 = arith.constant 0 : i32
      %dma_wait3A_245 = arith.constant 0 : i32
      %dma_wait3A_246 = tpu.memref_slice %arg7[%dma_wait3A_244, %dma_wait3A_245] : memref<256x2xi32, #tpu.memory_space<vmem>> -> memref<1x2xi32, #tpu.memory_space<vmem>>
      %dma_wait3A_247 = tpu.memref_squeeze %dma_wait3A_246 : memref<1x2xi32, #tpu.memory_space<vmem>> -> memref<2xi32, #tpu.memory_space<vmem>>
      %dma_wait3A_248 = arith.constant 0 : i32
      %dma_wait3A_249 = arith.constant 0 : i32
      %dma_wait3A_250 = tpu.memref_slice %arg2[%dma_wait3A_248, %dma_wait3A_249] : memref<1000x3072xf32, #tpu.memory_space<hbm>> -> memref<1000x3072xf32, #tpu.memory_space<hbm>>
      tpu.wait_indirect_dma semaphore(%arg27 : memref<!tpu.dma_semaphore, #tpu.memory_space<semaphore_mem>>) src(%dma_wait3A_250 : memref<1000x3072xf32, #tpu.memory_space<hbm>>) dst(%arg11 : memref<2x3072xf32, #tpu.memory_space<vmem>>)
      %dma_wait3A_251 = arith.constant 0 : i32
      %dma_wait3A_252 = arith.constant 0 : i32
      %dma_wait3A_253 = tpu.memref_slice %arg7[%dma_wait3A_251, %dma_wait3A_252] : memref<256x2xi32, #tpu.memory_space<vmem>> -> memref<1x2xi32, #tpu.memory_space<vmem>>
      %dma_wait3A_254 = tpu.memref_squeeze %dma_wait3A_253 : memref<1x2xi32, #tpu.memory_space<vmem>> -> memref<2xi32, #tpu.memory_space<vmem>>
      %dma_wait3A_255 = arith.constant 0 : i32
      %dma_wait3A_256 = arith.constant 0 : i32
      %dma_wait3A_257 = tpu.memref_slice %arg3[%dma_wait3A_255, %dma_wait3A_256] : memref<1000x3072xf32, #tpu.memory_space<hbm>> -> memref<1000x3072xf32, #tpu.memory_space<hbm>>
      tpu.wait_indirect_dma semaphore(%arg27 : memref<!tpu.dma_semaphore, #tpu.memory_space<semaphore_mem>>) src(%dma_wait3A_257 : memref<1000x3072xf32, #tpu.memory_space<hbm>>) dst(%arg15 : memref<2x3072xf32, #tpu.memory_space<vmem>>)
      %dma_wait3A_258 = arith.constant 0 : i32
      %dma_wait3A_259 = tpu.memref_slice %arg5[%mul3A_2, %dma_wait3A_258] : memref<16384x3072xf32, #tpu.memory_space<hbm>> -> memref<2x3072xf32, #tpu.memory_space<hbm>>
      %dma_wait3A_260 = arith.constant 0 : i32
      %dma_wait3A_261 = tpu.memref_slice %arg5[%mul3A_2, %dma_wait3A_260] : memref<16384x3072xf32, #tpu.memory_space<hbm>> -> memref<2x3072xf32, #tpu.memory_space<hbm>>
      tpu.wait_dma2 semaphore(%arg27 : memref<!tpu.dma_semaphore, #tpu.memory_space<semaphore_mem>>) src(%dma_wait3A_261 : memref<2x3072xf32, #tpu.memory_space<hbm>>) dst(%arg19 : memref<2x3072xf32, #tpu.memory_space<vmem>>)
      %ge3A_262 = arith.constant 4 : i32
      %ge3A_263 = arith.cmpi sge, %add3A_243, %ge3A_262 : i32
      %convert_element_type3A_264 = arith.extui %ge3A_263 : i1 to i32
      %cond3A_265 = arith.constant 0 : i32
      %cond3A_266 = arith.cmpi ne, %convert_element_type3A_264, %cond3A_265 : i32
      scf.if %cond3A_266 {
        %dma_wait3A_287 = arith.constant 0 : i32
        %dma_wait3A_288 = tpu.memref_slice %arg6[%mul3A_2, %dma_wait3A_287] : memref<16384x3072xf32, #tpu.memory_space<hbm>> -> memref<2x3072xf32, #tpu.memory_space<hbm>>
        %dma_wait3A_289 = arith.constant 0 : i32
        %dma_wait3A_290 = tpu.memref_slice %arg6[%mul3A_2, %dma_wait3A_289] : memref<16384x3072xf32, #tpu.memory_space<hbm>> -> memref<2x3072xf32, #tpu.memory_space<hbm>>
        tpu.wait_dma2 semaphore(%arg31 : memref<!tpu.dma_semaphore, #tpu.memory_space<semaphore_mem>>) src(%arg23 : memref<2x3072xf32, #tpu.memory_space<vmem>>) dst(%dma_wait3A_290 : memref<2x3072xf32, #tpu.memory_space<hbm>>)
      } else {
      }
      %scan3A_267 = arith.constant 0 : i32
      %scan3A_268 = arith.constant 0 : i32
      %scan3A_269 = arith.constant 192 : i32
      %scan3A_270 = arith.addi %scan3A_268, %scan3A_269 : i32
      %scan3A_271 = arith.constant 1 : i32
      scf.for %scan3A_287 = %scan3A_268 to %scan3A_270 step %scan3A_271  : i32 {
        %mul3A_288 = arith.constant 16 : i32
        %mul3A_289 = arith.muli %scan3A_287, %mul3A_288 : i32
        %get3A = arith.constant 0 : i32
        %get3A_290 = arith.index_cast %get3A : i32 to index
        %get3A_291 = arith.index_cast %mul3A_289 : i32 to index
        %get3A_292 = tpu.vector_load %arg19[%get3A_290, %get3A_291] {strides = array<i32>} : memref<2x3072xf32, #tpu.memory_space<vmem>>, vector<1x16xf32>,
        %get3A_293 = vector.shape_cast %get3A_292 : vector<1x16xf32> to vector<16xf32>
        %get3A_294 = arith.constant 0 : i32
        %get3A_295 = arith.index_cast %get3A_294 : i32 to index
        %get3A_296 = arith.index_cast %mul3A_289 : i32 to index
        %get3A_297 = tpu.vector_load %arg11[%get3A_295, %get3A_296] {strides = array<i32>} : memref<2x3072xf32, #tpu.memory_space<vmem>>, vector<1x16xf32>,
        %get3A_298 = vector.shape_cast %get3A_297 : vector<1x16xf32> to vector<16xf32>
        %get3A_299 = arith.constant 0 : i32
        %get3A_300 = arith.index_cast %get3A_299 : i32 to index
        %get3A_301 = arith.index_cast %mul3A_289 : i32 to index
        %get3A_302 = tpu.vector_load %arg15[%get3A_300, %get3A_301] {strides = array<i32>} : memref<2x3072xf32, #tpu.memory_space<vmem>>, vector<1x16xf32>,
        %get3A_303 = vector.shape_cast %get3A_302 : vector<1x16xf32> to vector<16xf32>
        %mul3A_304 = arith.mulf %get3A_303, %get3A_293 : vector<16xf32>
        %add3A_305 = arith.addf %get3A_298, %mul3A_304 : vector<16xf32>
        %swap3A = arith.constant 0 : i32
        %swap3A_306 = arith.index_cast %swap3A : i32 to index
        %swap3A_307 = arith.index_cast %mul3A_289 : i32 to index
        %swap3A_308 = tpu.vector_load %arg23[%swap3A_306, %swap3A_307] {strides = array<i32>} : memref<2x3072xf32, #tpu.memory_space<vmem>>, vector<1x16xf32>,
        %swap3A_309 = vector.shape_cast %swap3A_308 : vector<1x16xf32> to vector<16xf32>
        %swap3A_310 = vector.shape_cast %add3A_305 : vector<16xf32> to vector<1x16xf32>
        tpu.vector_store %arg23[%swap3A_306, %swap3A_307], %swap3A_310 {strides = array<i32>} : memref<2x3072xf32, #tpu.memory_space<vmem>>, vector<1x16xf32>,
        %get3A_311 = arith.constant 1 : i32
        %get3A_312 = arith.index_cast %get3A_311 : i32 to index
        %get3A_313 = arith.index_cast %mul3A_289 : i32 to index
        %get3A_314 = tpu.vector_load %arg19[%get3A_312, %get3A_313] {strides = array<i32>} : memref<2x3072xf32, #tpu.memory_space<vmem>>, vector<1x16xf32>,
        %get3A_315 = vector.shape_cast %get3A_314 : vector<1x16xf32> to vector<16xf32>
        %get3A_316 = arith.constant 1 : i32
        %get3A_317 = arith.index_cast %get3A_316 : i32 to index
        %get3A_318 = arith.index_cast %mul3A_289 : i32 to index
        %get3A_319 = tpu.vector_load %arg11[%get3A_317, %get3A_318] {strides = array<i32>} : memref<2x3072xf32, #tpu.memory_space<vmem>>, vector<1x16xf32>,
        %get3A_320 = vector.shape_cast %get3A_319 : vector<1x16xf32> to vector<16xf32>
        %get3A_321 = arith.constant 1 : i32
        %get3A_322 = arith.index_cast %get3A_321 : i32 to index
        %get3A_323 = arith.index_cast %mul3A_289 : i32 to index
        %get3A_324 = tpu.vector_load %arg15[%get3A_322, %get3A_323] {strides = array<i32>} : memref<2x3072xf32, #tpu.memory_space<vmem>>, vector<1x16xf32>,
        %get3A_325 = vector.shape_cast %get3A_324 : vector<1x16xf32> to vector<16xf32>
        %mul3A_326 = arith.mulf %get3A_325, %get3A_315 : vector<16xf32>
        %add3A_327 = arith.addf %get3A_320, %mul3A_326 : vector<16xf32>
        %swap3A_328 = arith.constant 1 : i32
        %swap3A_329 = arith.index_cast %swap3A_328 : i32 to index
        %swap3A_330 = arith.index_cast %mul3A_289 : i32 to index
        %swap3A_331 = tpu.vector_load %arg23[%swap3A_329, %swap3A_330] {strides = array<i32>} : memref<2x3072xf32, #tpu.memory_space<vmem>>, vector<1x16xf32>,
        %swap3A_332 = vector.shape_cast %swap3A_331 : vector<1x16xf32> to vector<16xf32>
        %swap3A_333 = vector.shape_cast %add3A_327 : vector<16xf32> to vector<1x16xf32>
        tpu.vector_store %arg23[%swap3A_329, %swap3A_330], %swap3A_333 {strides = array<i32>} : memref<2x3072xf32, #tpu.memory_space<vmem>>, vector<1x16xf32>,
      }
      %scan3A_272 = arith.constant 192 : i32
      %mul3A_273 = arith.constant 2 : i32
      %mul3A_274 = arith.muli %add3A_243, %mul3A_273 : i32
      %add3A_275 = arith.addi %mul3A_2, %mul3A_274 : i32
      %dma_start3A_276 = arith.constant 0 : i32
      %dma_start3A_277 = tpu.memref_slice %arg6[%add3A_275, %dma_start3A_276] : memref<16384x3072xf32, #tpu.memory_space<hbm>> -> memref<2x3072xf32, #tpu.memory_space<hbm>>
      %dma_start3A_278 = arith.constant 0 : i32
      %dma_start3A_279 = tpu.memref_slice %arg6[%add3A_275, %dma_start3A_278] : memref<16384x3072xf32, #tpu.memory_space<hbm>> -> memref<2x3072xf32, #tpu.memory_space<hbm>>
      tpu.enqueue_dma source(%arg23 : memref<2x3072xf32, #tpu.memory_space<vmem>>) target(%dma_start3A_279 : memref<2x3072xf32, #tpu.memory_space<hbm>>) target_semaphore(%arg31 : memref<!tpu.dma_semaphore, #tpu.memory_space<semaphore_mem>>)
      %add3A_280 = arith.constant 4 : i32
      %add3A_281 = arith.addi %add3A_243, %add3A_280 : i32
      %lt3A_282 = arith.constant 256 : i32
      %lt3A_283 = arith.cmpi slt, %add3A_281, %lt3A_282 : i32
      %convert_element_type3A_284 = arith.extui %lt3A_283 : i1 to i32
      %cond3A_285 = arith.constant 0 : i32
      %cond3A_286 = arith.cmpi ne, %convert_element_type3A_284, %cond3A_285 : i32
      scf.if %cond3A_286 {
        %add3A_287 = arith.constant 4 : i32
        %add3A_288 = arith.addi %add3A_243, %add3A_287 : i32
        %mul3A_289 = arith.constant 2 : i32
        %mul3A_290 = arith.muli %add3A_288, %mul3A_289 : i32
        %add3A_291 = arith.addi %mul3A_2, %mul3A_290 : i32
        %dma_start3A_292 = arith.constant 0 : i32
        %dma_start3A_293 = tpu.memref_slice %arg7[%add3A_288, %dma_start3A_292] : memref<256x2xi32, #tpu.memory_space<vmem>> -> memref<1x2xi32, #tpu.memory_space<vmem>>
        %dma_start3A_294 = tpu.memref_squeeze %dma_start3A_293 : memref<1x2xi32, #tpu.memory_space<vmem>> -> memref<2xi32, #tpu.memory_space<vmem>>
        %dma_start3A_295 = arith.constant 0 : i32
        %dma_start3A_296 = arith.constant 0 : i32
        %dma_start3A_297 = tpu.memref_slice %arg2[%dma_start3A_295, %dma_start3A_296] : memref<1000x3072xf32, #tpu.memory_space<hbm>> -> memref<1000x3072xf32, #tpu.memory_space<hbm>>
        tpu.enqueue_indirect_dma source(%dma_start3A_297 : memref<1000x3072xf32, #tpu.memory_space<hbm>>) target(%arg11 : memref<2x3072xf32, #tpu.memory_space<vmem>>) offsets(%dma_start3A_294 : memref<2xi32, #tpu.memory_space<vmem>>) semaphore(%arg27 : memref<!tpu.dma_semaphore, #tpu.memory_space<semaphore_mem>>)
        %dma_start3A_298 = arith.constant 0 : i32
        %dma_start3A_299 = tpu.memref_slice %arg7[%add3A_288, %dma_start3A_298] : memref<256x2xi32, #tpu.memory_space<vmem>> -> memref<1x2xi32, #tpu.memory_space<vmem>>
        %dma_start3A_300 = tpu.memref_squeeze %dma_start3A_299 : memref<1x2xi32, #tpu.memory_space<vmem>> -> memref<2xi32, #tpu.memory_space<vmem>>
        %dma_start3A_301 = arith.constant 0 : i32
        %dma_start3A_302 = arith.constant 0 : i32
        %dma_start3A_303 = tpu.memref_slice %arg3[%dma_start3A_301, %dma_start3A_302] : memref<1000x3072xf32, #tpu.memory_space<hbm>> -> memref<1000x3072xf32, #tpu.memory_space<hbm>>
        tpu.enqueue_indirect_dma source(%dma_start3A_303 : memref<1000x3072xf32, #tpu.memory_space<hbm>>) target(%arg15 : memref<2x3072xf32, #tpu.memory_space<vmem>>) offsets(%dma_start3A_300 : memref<2xi32, #tpu.memory_space<vmem>>) semaphore(%arg27 : memref<!tpu.dma_semaphore, #tpu.memory_space<semaphore_mem>>)
        %dma_start3A_304 = arith.constant 0 : i32
        %dma_start3A_305 = tpu.memref_slice %arg5[%add3A_291, %dma_start3A_304] : memref<16384x3072xf32, #tpu.memory_space<hbm>> -> memref<2x3072xf32, #tpu.memory_space<hbm>>
        %dma_start3A_306 = arith.constant 0 : i32
        %dma_start3A_307 = tpu.memref_slice %arg5[%add3A_291, %dma_start3A_306] : memref<16384x3072xf32, #tpu.memory_space<hbm>> -> memref<2x3072xf32, #tpu.memory_space<hbm>>
        tpu.enqueue_dma source(%dma_start3A_307 : memref<2x3072xf32, #tpu.memory_space<hbm>>) target(%arg19 : memref<2x3072xf32, #tpu.memory_space<vmem>>) target_semaphore(%arg27 : memref<!tpu.dma_semaphore, #tpu.memory_space<semaphore_mem>>)
      } else {
      }
    }
    %scan3A_86 = arith.constant 64 : i32
    %dma_wait3A = arith.constant 0 : i32
    %dma_wait3A_87 = tpu.memref_slice %arg6[%mul3A_2, %dma_wait3A] : memref<16384x3072xf32, #tpu.memory_space<hbm>> -> memref<2x3072xf32, #tpu.memory_space<hbm>>
    %dma_wait3A_88 = arith.constant 0 : i32
    %dma_wait3A_89 = tpu.memref_slice %arg6[%mul3A_2, %dma_wait3A_88] : memref<16384x3072xf32, #tpu.memory_space<hbm>> -> memref<2x3072xf32, #tpu.memory_space<hbm>>
    tpu.wait_dma2 semaphore(%arg28 : memref<!tpu.dma_semaphore, #tpu.memory_space<semaphore_mem>>) src(%arg20 : memref<2x3072xf32, #tpu.memory_space<vmem>>) dst(%dma_wait3A_89 : memref<2x3072xf32, #tpu.memory_space<hbm>>)
    %dma_wait3A_90 = arith.constant 0 : i32
    %dma_wait3A_91 = tpu.memref_slice %arg6[%mul3A_2, %dma_wait3A_90] : memref<16384x3072xf32, #tpu.memory_space<hbm>> -> memref<2x3072xf32, #tpu.memory_space<hbm>>
    %dma_wait3A_92 = arith.constant 0 : i32
    %dma_wait3A_93 = tpu.memref_slice %arg6[%mul3A_2, %dma_wait3A_92] : memref<16384x3072xf32, #tpu.memory_space<hbm>> -> memref<2x3072xf32, #tpu.memory_space<hbm>>
    tpu.wait_dma2 semaphore(%arg29 : memref<!tpu.dma_semaphore, #tpu.memory_space<semaphore_mem>>) src(%arg21 : memref<2x3072xf32, #tpu.memory_space<vmem>>) dst(%dma_wait3A_93 : memref<2x3072xf32, #tpu.memory_space<hbm>>)
    %dma_wait3A_94 = arith.constant 0 : i32
    %dma_wait3A_95 = tpu.memref_slice %arg6[%mul3A_2, %dma_wait3A_94] : memref<16384x3072xf32, #tpu.memory_space<hbm>> -> memref<2x3072xf32, #tpu.memory_space<hbm>>
    %dma_wait3A_96 = arith.constant 0 : i32
    %dma_wait3A_97 = tpu.memref_slice %arg6[%mul3A_2, %dma_wait3A_96] : memref<16384x3072xf32, #tpu.memory_space<hbm>> -> memref<2x3072xf32, #tpu.memory_space<hbm>>
    tpu.wait_dma2 semaphore(%arg30 : memref<!tpu.dma_semaphore, #tpu.memory_space<semaphore_mem>>) src(%arg22 : memref<2x3072xf32, #tpu.memory_space<vmem>>) dst(%dma_wait3A_97 : memref<2x3072xf32, #tpu.memory_space<hbm>>)
    %dma_wait3A_98 = arith.constant 0 : i32
    %dma_wait3A_99 = tpu.memref_slice %arg6[%mul3A_2, %dma_wait3A_98] : memref<16384x3072xf32, #tpu.memory_space<hbm>> -> memref<2x3072xf32, #tpu.memory_space<hbm>>
    %dma_wait3A_100 = arith.constant 0 : i32
    %dma_wait3A_101 = tpu.memref_slice %arg6[%mul3A_2, %dma_wait3A_100] : memref<16384x3072xf32, #tpu.memory_space<hbm>> -> memref<2x3072xf32, #tpu.memory_space<hbm>>
    tpu.wait_dma2 semaphore(%arg31 : memref<!tpu.dma_semaphore, #tpu.memory_space<semaphore_mem>>) src(%arg23 : memref<2x3072xf32, #tpu.memory_space<vmem>>) dst(%dma_wait3A_101 : memref<2x3072xf32, #tpu.memory_space<hbm>>)
    return
  }
}

</mosaic_0001>

<sc_bundles>
// kernel: kernel.3.cloned.1.call-start
scs
__scs_entry_jumppad:
0x0: {  	(pc) =	sbr.rel $0x88, $3  }
0x1: {  	(tag) =	ssettag $0x0;
	lr =	simm.s32 $0x1  }
0x2: {  	[smem:$0x3F9D] =	sst lr;
	_ =	strace $0xD0000000  }
0x3: {  	_ = 	snop  }
0x4: {  	_ = 	snop  }
0x5: {  	_ = 	snop  }
0x6: {  	_ = 	snop  }
0x7: {  	_ = 	snop  }
__scs_overlays_trampoline_lowered:
0x8: {  	[smem:$0x3FAC] =	sst s0  }
0x9: {  	[smem:$0x3FAD] =	sst s1  }
0xa: {  	[smem:$0x3FAE] =	sst s2  }
0xb: {  	[smem:$0x3FAF] =	sst s3  }
0xc: {  	[smem:$0x3FB0] =	sst s4  }
0xd: {  	[smem:$0x3FB1] =	sst s5  }
0xe: {  	[smem:$0x3FB2] =	sst s6  }
0xf: {  	[smem:$0x3FB3] =	sst s7  }
0x10: {  	[smem:$0x3FB4] =	sst s8  }
0x11: {  	[smem:$0x3FB5] =	sst s9;
	s0 =	simm.s32 @!p0 $0x0  }
0x12: {  	s1 =	sld [smem:$0x3F9B];
	s0 =	simm.s32 @p0 $0x1  }
0x13: {  	[smem:$0x3FB6] =	sst s0;
	s0 =	simm.s32 @!p1 $0x0  }
0x14: {  	s2 =	sld [smem:$0x3F9A];
	s0 =	simm.s32 @p1 $0x1  }
0x15: {  	[smem:$0x3FB7] =	sst s0;
	s0 =	simm.s32 @!p2 $0x0  }
0x16: {  	s3 =	sld [smem:$0x3FDB];
	s0 =	simm.s32 @p2 $0x1  }
0x17: {  	s4 =	simm.s32 $0x1BF5;
	[smem:$0x3FB9] =	sst s0  }
0x18: {  	s0 =	sld [smem:$0x3F9C];
	_ =	swait.ge [sflag:s4], $0x0  }
0x19: {  	s7 =	sld [smem:$0x3F9D]  }
0x1a: {  	s8 =	sadd.s32 $0xFFFFE003, lr  }
0x1b: {  	s9 =	sadd.s32 $0xFFFFFEF7, lr;
	s5 =	simm.s32 $0xFFFFFFFF;
	p2 =	slt.u32 s8, $0xFFFFF086  }
0x1c: {  	p1 =	slt.u32 s9, $0xF7A;
	s5 =	simm.s32 @!p2 $0x0  }
0x1d: {  	s5 =	simm.s32 @p1 $0x1;
	p0 =	seq.s32 s7, s2  }
0x1e: {  	s7 =	smul.u32 @!p0 $0xF7A, s2;
	p2 =	seq.s32 @!p0 s5, $0x0  }
0x1f: {  	s9 =	smul.u32 $0xF7A, s1;
	s8 =	simm.s32 @!p0 $0x1BF5;
	p2 =	por !p2, p0  }
0x20: {  	[sflag:s8] =	ssyncset.s32 @!p0 $0xFFFFF086;
	s6 =	sadd.s32 @!p0 s3, s7;
	s7 =	simm.s32 @!p0 $0x108  }
0x21: {  	s3 =	sadd.s32 s3, s9;
	s6 =	sadd.s32 @!p0 $0x88, s6;
	s7 =	simm.s32 @p2 $0x1082  }
0x22: {  	[simem:s7], [sflag:s8] =	dma.local @!p0 [hbm:s6], $0xF7A  }
0x23: {  	s9 =	sor.u32 $0xD0000000, s2;
	s6 =	simm.s32 $0x108;
	_ =	swait.ge @!p0 [sflag:s8], $0x0  }
0x24: {  	s3 =	sadd.s32 $0x88, s3;
	s6 =	simm.s32 @!p1 $0x1082;
	[sflag:s4] =	ssyncset.s32 $0xFFFFF086  }
0x25: {  	[simem:s6], [sflag:s4] =	dma.local [hbm:s3], $0xF7A  }
0x26: {  	[smem:$0x3F9D] =	sst s1;
	(tag) =	ssettag s2;
	_ =	strace s9  }
0x27: {  	s1 =	sld [smem:$0x3FAD]  }
0x28: {  	s2 =	sld [smem:$0x3FAE]  }
0x29: {  	s4 =	sld [smem:$0x3FB0]  }
0x2a: {  	p0 =	seq.s32 s5, $0x0;
	s5 =	sld [smem:$0x3FB1]  }
0x2b: {  	s6 =	sld [smem:$0x3FB2]  }
0x2c: {  	s7 =	sld [smem:$0x3FB3]  }
0x2d: {  	s3 =	simm.s32 $0x108;
	s8 =	sld [smem:$0x3FB4]  }
0x2e: {  	s3 =	simm.s32 @!p0 $0x1082;
	s9 =	sld [smem:$0x3FB5]  }
0x2f: {  	lr =	sadd.s32 s0, s3;
	s0 =	sld [smem:$0x3FAC]  }
0x30: {  	s3 =	sld [smem:$0x3FAF]  }
0x31: {  	[smem:$0x3FB8] =	sst s10  }
0x32: {  	s10 =	sld [smem:$0x3FB6];
	_ =	sdelay $0x3  }
0x33: {  	p0 =	seq.s32 s10, $0x1;
	s10 =	sld [smem:$0x3FB8];
	_ =	sdelay $0x3  }
0x34: {  	[smem:$0x3FB8] =	sst s10  }
0x35: {  	s10 =	sld [smem:$0x3FB7];
	_ =	sdelay $0x3  }
0x36: {  	p1 =	seq.s32 s10, $0x1;
	s10 =	sld [smem:$0x3FB8];
	_ =	sdelay $0x3  }
0x37: {  	[smem:$0x3FB8] =	sst s10  }
0x38: {  	s10 =	sld [smem:$0x3FB9]  }
0x39: {  	_ = 	snop;
	(pc) =	sbr.ind lr, $3  }
0x3a: {  	_ = 	snop  }
0x3b: {  	_ = 	snop  }
0x3c: {  	p2 =	seq.s32 s10, $0x1;
	s10 =	sld [smem:$0x3FB8]  }
0x3d: {  	_ =	shalt  }
0x3e: {  	_ =	shalt  }
0x3f: {  	_ =	shalt  }
0x40: {  	_ =	shalt  }
0x41: {  	_ =	shalt  }
0x42: {  	_ =	shalt  }
0x43: {  	_ =	shalt  }
0x44: {  	_ =	shalt  }
0x45: {  	_ =	shalt  }
0x46: {  	_ =	shalt  }
0x47: {  	_ =	shalt  }
0x48: {  	_ =	shalt  }
0x49: {  	_ =	shalt  }
0x4a: {  	_ =	shalt  }
0x4b: {  	_ =	shalt  }
0x4c: {  	_ =	shalt  }
0x4d: {  	_ =	shalt  }
0x4e: {  	_ =	shalt  }
0x4f: {  	_ =	shalt  }
0x50: {  	_ =	shalt  }
0x51: {  	_ =	shalt  }
0x52: {  	_ =	shalt  }
0x53: {  	_ =	shalt  }
0x54: {  	_ =	shalt  }
0x55: {  	_ =	shalt  }
0x56: {  	_ =	shalt  }
0x57: {  	_ =	shalt  }
0x58: {  	_ =	shalt  }
0x59: {  	_ =	shalt  }
0x5a: {  	_ =	shalt  }
0x5b: {  	_ =	shalt  }
0x5c: {  	_ =	shalt  }
0x5d: {  	_ =	shalt  }
0x5e: {  	_ =	shalt  }
0x5f: {  	_ =	shalt  }
0x60: {  	_ =	shalt  }
0x61: {  	_ =	shalt  }
0x62: {  	_ =	shalt  }
0x63: {  	_ =	shalt  }
0x64: {  	_ =	shalt  }
0x65: {  	_ =	shalt  }
0x66: {  	_ =	shalt  }
0x67: {  	_ =	shalt  }
0x68: {  	_ =	shalt  }
0x69: {  	_ =	shalt  }
0x6a: {  	_ =	shalt  }
0x6b: {  	_ =	shalt  }
0x6c: {  	_ =	shalt  }
0x6d: {  	_ =	shalt  }
0x6e: {  	_ =	shalt  }
0x6f: {  	_ =	shalt  }
0x70: {  	_ =	shalt  }
0x71: {  	_ =	shalt  }
0x72: {  	_ =	shalt  }
0x73: {  	_ =	shalt  }
0x74: {  	_ =	shalt  }
0x75: {  	_ =	shalt  }
0x76: {  	_ =	shalt  }
0x77: {  	_ =	shalt  }
0x78: {  	_ =	shalt  }
0x79: {  	_ =	shalt  }
0x7a: {  	_ =	shalt  }
0x7b: {  	_ =	shalt  }
0x7c: {  	_ =	shalt  }
0x7d: {  	_ =	shalt  }
0x7e: {  	_ =	shalt  }
0x7f: {  	_ =	shalt  }
0x80: {  	_ =	shalt  }
0x81: {  	_ =	shalt  }
0x82: {  	_ =	shalt  }
0x83: {  	_ =	shalt  }
0x84: {  	_ =	shalt  }
0x85: {  	_ =	shalt  }
0x86: {  	_ =	shalt  }
0x87: {  	_ =	shalt  }
.Lfunc_end0:
.L_simem_size_0:
called_computation_lowered:
.L_overlay_start_0:
0x88: {  	s2 =	sld [smem:$0x3FD9]  }
0x89: {  	s3 =	sld [smem:$0x3FFE];
	_ =	sdelay $0x1  }
0x8a: {  	s1 =	srdreg.scid  }
0x8b: {  	s0 =	sand.u32 $0x1, s1  }
0x8c: {  	s17 =	sshll.u32 s0, $0xA;
	s2 =	sadd.s32 s3, s2  }
0x8d: {  	s2 =	sadd.s32 s2, s17  }
0x8e: {  	[smem:$0x3FC4] =	sst s2  }
0x8f: {  	_ = 	snop  }
0x90: {  	s2 =	sld [smem:$0x3FD0];
	(tm) =	ssettm $0x1  }
0x91: {  	s18 =	sld [smem:$0x3FFB];
	_ =	sdelay $0x3  }
0x92: {  	_ =	strace s18  }
0x93: {  	s3 =	sld [smem:$0x3FFC];
	_ =	sdelay $0x3  }
0x94: {  	_ =	strace s3  }
0x95: {  	s3 =	sld [smem:$0x3FFD];
	_ =	sdelay $0x3  }
0x96: {  	_ =	strace s3  }
0x97: {  	_ =	strace $0x8FFFFFFF  }
0x98: {  	s19 =	sld [smem:$0x3FDB];
	_ =	sdelay $0x1  }
0x99: {  	s4 =	simm.s32 $_scs_section_size  }
0x9a: {  	s5 =	simm.s32 $_size__tile_overlayer_lowered;
	s6 =	simm.s32 $_tile_overlayer_lowered  }
0x9b: {  	s22 =	simm.s32 $0x1BFF;
	s21 =	sshll.u32 s6, $0x1;
	s3 =	sadd.s32 s4, s19  }
0x9c: {  	s7 =	simm.s32 $0x0;
	s20 =	sshll.u32 s5, $0x1;
	s5 =	sadd.s32 s21, s3  }
0x9d: {  	[timem:s7], [sflag:s22] =	dma.local [hbm:s5], s20  }
0x9e: {  	_ =	swait.ge [sflag:s22], s20  }
0x9f: {  	s4 =	ssub.s32 $0x0, s20;
	[sflag:s22] =	ssyncset.done $0x0  }
0xa0: {  	[sflag:s22] =	ssyncadd.s32 s4;
	_ =	sdelay $0x1  }
0xa1: {  	s23 =	simm.s32 $0x1B8B  }
0xa2: {  	_ =	swait.ge [sflag:s23], $0x1  }
0xa3: {  	[sflag:s23] =	ssyncset.done $0x0  }
0xa4: {  	s25 =	simm.s32 $0x1B8E;
	s24 =	sld [smem:$0x3FFE];
	[sflag:s23] =	ssyncadd.s32 $0xFFFFFFFF  }
0xa5: {  	s26 =	simm.s32 $execute0_lowered;
	[smem:$0x3FD2] =	sst s25  }
0xa6: {  	s5 =	sshll.u32 s26, $0x1;
	_ =	strace $0x80000046;
	[dreg:$0x1] =	wrdreg $0xFFFFFFFF  }
0xa7: {  	s28 =	simm.s32 $_size_execute0_lowered;
	s3 =	sadd.s32 s3, s5;
	[dreg:$0x0] =	wrdreg $0x0  }
0xa8: {  	s5 =	sshll.u32 s28, $0x1;
	[dreg:$0x2] =	wrdreg s3  }
0xa9: {  	[dreg:$0x3] =	wrdreg s5  }
0xaa: {  	[dreg:$0x4] =	wrdreg $0xC0  }
0xab: {  	_ =	task [dreg:s7], $0x5FFFF  }
0xac: {  	[dreg:$0x1] =	wrdreg $0xFFFFFFFF  }
0xad: {  	[dreg:$0x0] =	wrdreg $0x60  }
0xae: {  	[dreg:$0x2] =	wrdreg s24  }
0xaf: {  	[dreg:$0x3] =	wrdreg s2  }
0xb0: {  	[dreg:$0x4] =	wrdreg $0x9  }
0xb1: {  	_ =	task.clear_ibuf [dreg:s7], $0x5FFFF;
	_ =	strace $0x90000046  }
0xb2: {  	s29 =	simm.s32 $0x9;
	_ =	strace $0x80000048  }
0xb3: {  	_ =	swait.ge [sflag:s29], $0x1  }
0xb4: {  	[sflag:s29] =	ssyncadd.s32 $0xFFFFFFFF  }
0xb5: {  	_ =	strace $0x90000048  }
0xb6: {  	_ =	sfence  }
0xb7: {  	s30 =	sld [smem:$0x0];
	_ =	sdelay $0x2  }
0xb8: {  	s31 =	sshll.u32 s1, $0xD;
	s1 =	sshrl.u32 s1, $0x2  }
0xb9: {  	s3 =	sand.u32 $0x4000, s31;
	s1 =	sadd.s32 s1, s30  }
0xba: {  	s0 =	sor.u32 s3, s0;
	s1 =	sshll.u32 s1, $0x11  }
0xbb: {  	s0 =	sor.u32 s1, s0  }
0xbc: {  	s0 =	sadd.s32 $0x8F2B, s0  }
0xbd: {  	[sflag:s0] =	ssyncadd.remote.s32 $0x1  }
0xbe: {  	_ =	sfence.sel $0xFFFF  }
0xbf: {  	[dreg:$0x0] =	wrdreg $0xFFFFFFFF;
	(pc) =	sbr.abs _section_cstart, $3  }
0xc0: {  	[dreg:$0x1] =	wrdreg $0xFFFFFFFF  }
0xc1: {  	_ =	task.clear_ibuf [dreg:s7], $0x2FFFF;
	_ =	strace $0x9FFFFFFF  }
0xc2: {  	(tm) =	ssettm $0x7FFFFFFF  }
0xc3: {  	_ =	shalt  }
tec
execute0_lowered:
.L_overlay_start_1:
0x0: {  	(tag) =	ssettag $0x1  }
0x1: {  	s0 =	rddreg [dreg:$0x0]  }
0x2: {  	s13 =	rddreg [dreg:$0x1];
	s3 =	simm.s32 $0x0  }
0x3: {  	s1 =	srdreg.scid;
	s2 =	stileid.u32;
	s26 =	simm.s32 $0x400  }
0x4: {  	s19 =	simm.s32 $0x2;
	s25 =	simm.s32 $0x3;
	s28 =	simm.s32 $0x4  }
0x5: {  	[smem:$0x7FF] =	sst s3;
	s1 =	sand.u32 $0x1, s1;
	s2 =	sshll.u32 s2, $0x1  }
0x6: {  	s4 =	sadd.s32 $0x21000, s0;
	s5 =	sadd.s32 $0x7EC00, s0;
	s9 =	sadd.s32 $0x21400, s0  }
0x7: {  	s10 =	sadd.s32 $0x21800, s0;
	s11 =	sadd.s32 $0x7F000, s0;
	s12 =	sadd.s32 $0x7F400, s0  }
0x8: {  	s16 =	sadd.s32 $0x40, s13;
	s17 =	sadd.s32 $0x60, s13;
	s21 =	sadd.s32 $0xDC820, s0  }
0x9: {  	s22 =	sadd.s32 $0xDC840, s0;
	s23 =	sadd.s32 $0xDC860, s0;
	s2 =	sor.u32 s1, s2  }
0xa: {  	_ =	strace $0x80000047;
	s1 =	ssub.s32 $0x2, s1;
	s6 =	sshll.u32 s2, $0xC  }
0xb: {  	s7 =	sshrl.u32 s1, $0x1;
	s29 =	smul.u32 $0x30000, s2;
	s8 =	sadd.s32 s6, s0  }
0xc: {  	s20 =	sshll.u32 s2, $0x6;
	s6 =	sadd.s32 $0xDC800, s0;
	s8 =	sadd.s32 $0x1000, s8  }
0xd: {  	s1 =	ssub.s32 s1, s7;
	s14 =	sadd.s32 s13, s29;
	[dreg:$0x3] =	wrdreg s8  }
.Ltmp0:
0xe: {  	s30 =	sadd.s32 s29, s16;
	[dreg:$0x4] =	wrdreg s14;
	(pc) =	sbr.rel .LBB2_1-.Ltmp0, $4  }
0xf: {  	s7 =	sshll.u32 s2, $0x9;
	s31 =	smax.u32 s1, $0x1;
	[dreg:$0x6] =	wrdreg s30  }
0x10: {  	v0 =	vlaneseq.u32;
	s14 =	sadd.s32 $0x20, s13;
	s8 =	sadd.s32 s29, s17;
	[dreg:$0x8] =	wrdreg s31  }
0x11: {  	v1 =	vshrl.u32 v0, $0x1;
	s2 =	simm.s32 $0x100;
	s15 =	sadd.s32 s29, s14;
	[dreg:$0x7] =	wrdreg s8  }
0x12: {  	vm0 =	vmmov $0xffff;
	v0 =	vand.u32 $0x1, v0;
	v1 =	vmul.u32 $0x8, v1;
	s8 =	simm.s32 $0x0;
	[dreg:$0x5] =	wrdreg s15;
	s15 =	simm.s32 $0x1  }
.LBB2_12:
0x13: {  	s0 =	simm.s32 $0x5  }
0x14: {  	_ =	swait.ge [sflag:s0], $0x1800  }
0x15: {  	[sflag:s0] =	ssyncset.done $0x0  }
0x16: {  	s29 =	simm.s32 $0x6;
	[sflag:s0] =	ssyncadd.s32 $0xFFFFE800  }
0x17: {  	_ =	swait.ge [sflag:s29], $0x1800  }
0x18: {  	[sflag:s29] =	ssyncset.done $0x0  }
0x19: {  	s30 =	simm.s32 $0x7;
	[sflag:s29] =	ssyncadd.s32 $0xFFFFE800  }
0x1a: {  	_ =	swait.ge [sflag:s30], $0x1800  }
0x1b: {  	[sflag:s30] =	ssyncset.done $0x0  }
0x1c: {  	s1 =	simm.s32 $0x8;
	[sflag:s30] =	ssyncadd.s32 $0xFFFFE800  }
0x1d: {  	_ =	swait.ge [sflag:s1], $0x1800  }
0x1e: {  	s8 =	rddreg [dreg:$0x9]  }
0x1f: {  	s31 =	rddreg [dreg:$0x8];
	s8 =	sadd.s32 $0x1, s8  }
0x20: {  	p0 =	sne.s32 s8, s31  }
.Ltmp1:
0x21: {  	_ = 	snop;
	(pc) =	sbr.rel @!p0 .LBB2_13-.Ltmp1, $3  }
0x22: {  	_ =	sdelay $0x1  }
0x23: {  	[sflag:s1] =	ssyncset.done $0x0  }
0x24: {  	[sflag:s1] =	ssyncadd.s32 $0xFFFFE800  }
.LBB2_1:
0x25: {  	[dreg:$0x9] =	wrdreg s8  }
0x26: {  	s0 =	rddreg [dreg:$0x3];
	s18 =	simm.s32 $0x9  }
0x27: {  	[tilespmem:s3], [sflag:$0x9] =	stream.linear.gather [hbm4b:s0+s3], $0x8000, $0x38;
	v63 =	vld [tilespmem:$0x0]  }
0x28: {  	_ =	swait.ge [sflag:s18], $0x8000  }
0x29: {  	[sflag:s18] =	ssyncset.done $0x0  }
0x2a: {  	[sflag:s18] =	ssyncadd.s32 $0xFFFF8000  }
0x2b: {  	v2 =	vld.msk [tilespmem:$0x0], $0x3;
	_ =	sdelay $0x4  }
0x2c: {  	v3 =	vshrl.u32 v2, $0x3  }
0x2d: {  	v3 =	vmul.u32 $0xC0, v3  }
0x2e: {  	v2 =	vand.u32 $0x7, v2  }
0x2f: {  	v2 =	vor.u32 v2, v3  }
0x30: {  	v2 =	vperm.xlane v2, v0;
	_ =	sdelay $0x1  }
0x31: {  	v2 =	vadd.s32 v1, v2;
	_ =	sdelay $0x3  }
0x32: {  	s24 =	simm.s32 $0x8000  }
0x33: {  	[tilespmem:s24], [sflag:$0x1] =	stream.indirect_vreg.gather [hbm4b:s4+s3], $0x80, v2, vm0, $0xb8;
	v63 =	vld [tilespmem:$0x0]  }
0x34: {  	s29 =	simm.s32 $0x8800  }
0x35: {  	[tilespmem:s29], [sflag:$0x1] =	stream.indirect_vreg.gather [hbm4b:s9+s3], $0x80, v2, vm0, $0xb8;
	v63 =	vld [tilespmem:$0x0]  }
0x36: {  	s31 =	simm.s32 $0x9000  }
0x37: {  	[tilespmem:s31], [sflag:$0x1] =	stream.indirect_vreg.gather [hbm4b:s10+s3], $0x80, v2, vm0, $0xb8;
	v63 =	vld [tilespmem:$0x0]  }
0x38: {  	v2 =	vld.msk [tilespmem:$0x0], $0x3;
	_ =	sdelay $0x4  }
0x39: {  	v3 =	vshrl.u32 v2, $0x3  }
0x3a: {  	v3 =	vmul.u32 $0xC0, v3  }
0x3b: {  	v2 =	vand.u32 $0x7, v2  }
0x3c: {  	v2 =	vor.u32 v2, v3  }
0x3d: {  	v2 =	vperm.xlane v2, v0;
	_ =	sdelay $0x1  }
0x3e: {  	v2 =	vadd.s32 v1, v2;
	_ =	sdelay $0x3  }
0x3f: {  	s1 =	simm.s32 $0xE000  }
0x40: {  	[tilespmem:s1], [sflag:$0x1] =	stream.indirect_vreg.gather [hbm4b:s5+s3], $0x80, v2, vm0, $0xb8;
	v63 =	vld [tilespmem:$0x0]  }
0x41: {  	s8 =	simm.s32 $0xE800  }
0x42: {  	[tilespmem:s8], [sflag:$0x1] =	stream.indirect_vreg.gather [hbm4b:s11+s3], $0x80, v2, vm0, $0xb8;
	v63 =	vld [tilespmem:$0x0]  }
0x43: {  	s13 =	simm.s32 $0xF000  }
0x44: {  	[tilespmem:s13], [sflag:$0x1] =	stream.indirect_vreg.gather [hbm4b:s12+s3], $0x80, v2, vm0, $0xb8;
	v63 =	vld [tilespmem:$0x0]  }
0x45: {  	s18 =	rddreg [dreg:$0x4];
	s1 =	simm.s32 $0x14000  }
0x46: {  	[tilespmem:s1], [sflag:$0x1] =	stream.strided.gather [hbm4b:s18+s2], $0x1800, s26, s2, $0x38;
	v63 =	vld [tilespmem:$0x0]  }
0x47: {  	v2 =	vld.msk [tilespmem:$0x80], $0x3;
	_ =	sdelay $0x4  }
0x48: {  	v3 =	vshrl.u32 v2, $0x3  }
0x49: {  	v3 =	vmul.u32 $0xC0, v3  }
0x4a: {  	v2 =	vand.u32 $0x7, v2  }
0x4b: {  	v2 =	vor.u32 v2, v3  }
0x4c: {  	v2 =	vperm.xlane v2, v0;
	_ =	sdelay $0x1  }
0x4d: {  	v2 =	vadd.s32 v1, v2;
	_ =	sdelay $0x3  }
0x4e: {  	s24 =	simm.s32 $0x9800  }
0x4f: {  	[tilespmem:s24], [sflag:$0x2] =	stream.indirect_vreg.gather [hbm4b:s4+s3], $0x80, v2, vm0, $0xb8;
	v63 =	vld [tilespmem:$0x0]  }
0x50: {  	s29 =	simm.s32 $0xA000  }
0x51: {  	[tilespmem:s29], [sflag:$0x2] =	stream.indirect_vreg.gather [hbm4b:s9+s3], $0x80, v2, vm0, $0xb8;
	v63 =	vld [tilespmem:$0x0]  }
0x52: {  	s31 =	simm.s32 $0xA800  }
0x53: {  	[tilespmem:s31], [sflag:$0x2] =	stream.indirect_vreg.gather [hbm4b:s10+s3], $0x80, v2, vm0, $0xb8;
	v63 =	vld [tilespmem:$0x0]  }
0x54: {  	v2 =	vld.msk [tilespmem:$0x80], $0x3;
	_ =	sdelay $0x4  }
0x55: {  	v3 =	vshrl.u32 v2, $0x3  }
0x56: {  	v3 =	vmul.u32 $0xC0, v3  }
0x57: {  	v2 =	vand.u32 $0x7, v2  }
0x58: {  	v2 =	vor.u32 v2, v3  }
0x59: {  	v2 =	vperm.xlane v2, v0;
	_ =	sdelay $0x1  }
0x5a: {  	v2 =	vadd.s32 v1, v2;
	_ =	sdelay $0x3  }
0x5b: {  	s1 =	simm.s32 $0xF800  }
0x5c: {  	[tilespmem:s1], [sflag:$0x2] =	stream.indirect_vreg.gather [hbm4b:s5+s3], $0x80, v2, vm0, $0xb8;
	v63 =	vld [tilespmem:$0x0]  }
0x5d: {  	s8 =	simm.s32 $0x10000  }
0x5e: {  	[tilespmem:s8], [sflag:$0x2] =	stream.indirect_vreg.gather [hbm4b:s11+s3], $0x80, v2, vm0, $0xb8;
	v63 =	vld [tilespmem:$0x0]  }
0x5f: {  	s13 =	simm.s32 $0x10800  }
0x60: {  	[tilespmem:s13], [sflag:$0x2] =	stream.indirect_vreg.gather [hbm4b:s12+s3], $0x80, v2, vm0, $0xb8;
	v63 =	vld [tilespmem:$0x0]  }
0x61: {  	s18 =	rddreg [dreg:$0x5];
	s24 =	simm.s32 $0x15800  }
0x62: {  	[tilespmem:s24], [sflag:$0x2] =	stream.strided.gather [hbm4b:s18+s2], $0x1800, s26, s2, $0x38;
	v63 =	vld [tilespmem:$0x0]  }
0x63: {  	v2 =	vld.msk [tilespmem:$0x100], $0x3;
	_ =	sdelay $0x4  }
0x64: {  	v3 =	vshrl.u32 v2, $0x3  }
0x65: {  	v3 =	vmul.u32 $0xC0, v3  }
0x66: {  	v2 =	vand.u32 $0x7, v2  }
0x67: {  	v2 =	vor.u32 v2, v3  }
0x68: {  	v2 =	vperm.xlane v2, v0;
	_ =	sdelay $0x1  }
0x69: {  	v2 =	vadd.s32 v1, v2;
	_ =	sdelay $0x3  }
0x6a: {  	s29 =	simm.s32 $0xB000  }
0x6b: {  	[tilespmem:s29], [sflag:$0x3] =	stream.indirect_vreg.gather [hbm4b:s4+s3], $0x80, v2, vm0, $0xb8;
	v63 =	vld [tilespmem:$0x0]  }
0x6c: {  	s31 =	simm.s32 $0xB800  }
0x6d: {  	[tilespmem:s31], [sflag:$0x3] =	stream.indirect_vreg.gather [hbm4b:s9+s3], $0x80, v2, vm0, $0xb8;
	v63 =	vld [tilespmem:$0x0]  }
0x6e: {  	s1 =	simm.s32 $0xC000  }
0x6f: {  	[tilespmem:s1], [sflag:$0x3] =	stream.indirect_vreg.gather [hbm4b:s10+s3], $0x80, v2, vm0, $0xb8;
	v63 =	vld [tilespmem:$0x0]  }
0x70: {  	v2 =	vld.msk [tilespmem:$0x100], $0x3;
	_ =	sdelay $0x4  }
0x71: {  	v3 =	vshrl.u32 v2, $0x3  }
0x72: {  	v3 =	vmul.u32 $0xC0, v3  }
0x73: {  	v2 =	vand.u32 $0x7, v2  }
0x74: {  	v2 =	vor.u32 v2, v3  }
0x75: {  	v2 =	vperm.xlane v2, v0;
	_ =	sdelay $0x1  }
0x76: {  	v2 =	vadd.s32 v1, v2;
	_ =	sdelay $0x3  }
0x77: {  	s8 =	simm.s32 $0x11000  }
0x78: {  	[tilespmem:s8], [sflag:$0x3] =	stream.indirect_vreg.gather [hbm4b:s5+s3], $0x80, v2, vm0, $0xb8;
	v63 =	vld [tilespmem:$0x0]  }
0x79: {  	s13 =	simm.s32 $0x11800  }
0x7a: {  	[tilespmem:s13], [sflag:$0x3] =	stream.indirect_vreg.gather [hbm4b:s11+s3], $0x80, v2, vm0, $0xb8;
	v63 =	vld [tilespmem:$0x0]  }
0x7b: {  	s18 =	simm.s32 $0x12000  }
0x7c: {  	[tilespmem:s18], [sflag:$0x3] =	stream.indirect_vreg.gather [hbm4b:s12+s3], $0x80, v2, vm0, $0xb8;
	v63 =	vld [tilespmem:$0x0]  }
0x7d: {  	s24 =	rddreg [dreg:$0x6];
	s29 =	simm.s32 $0x17000  }
0x7e: {  	[tilespmem:s29], [sflag:$0x3] =	stream.strided.gather [hbm4b:s24+s2], $0x1800, s26, s2, $0x38;
	v63 =	vld [tilespmem:$0x0]  }
0x7f: {  	v2 =	vld.msk [tilespmem:$0x180], $0x3;
	_ =	sdelay $0x4  }
0x80: {  	v3 =	vshrl.u32 v2, $0x3  }
0x81: {  	v3 =	vmul.u32 $0xC0, v3  }
0x82: {  	v2 =	vand.u32 $0x7, v2  }
0x83: {  	v2 =	vor.u32 v2, v3  }
0x84: {  	v2 =	vperm.xlane v2, v0;
	_ =	sdelay $0x1  }
0x85: {  	v2 =	vadd.s32 v1, v2;
	_ =	sdelay $0x3  }
0x86: {  	s31 =	simm.s32 $0xC800  }
0x87: {  	[tilespmem:s31], [sflag:$0x4] =	stream.indirect_vreg.gather [hbm4b:s4+s3], $0x80, v2, vm0, $0xb8;
	v63 =	vld [tilespmem:$0x0]  }
0x88: {  	s1 =	simm.s32 $0xD000  }
0x89: {  	[tilespmem:s1], [sflag:$0x4] =	stream.indirect_vreg.gather [hbm4b:s9+s3], $0x80, v2, vm0, $0xb8;
	v63 =	vld [tilespmem:$0x0]  }
0x8a: {  	s8 =	simm.s32 $0xD800  }
0x8b: {  	[tilespmem:s8], [sflag:$0x4] =	stream.indirect_vreg.gather [hbm4b:s10+s3], $0x80, v2, vm0, $0xb8;
	v63 =	vld [tilespmem:$0x0]  }
0x8c: {  	v2 =	vld.msk [tilespmem:$0x180], $0x3;
	_ =	sdelay $0x4  }
0x8d: {  	v3 =	vshrl.u32 v2, $0x3  }
0x8e: {  	v3 =	vmul.u32 $0xC0, v3  }
0x8f: {  	v2 =	vand.u32 $0x7, v2  }
0x90: {  	v2 =	vor.u32 v2, v3  }
0x91: {  	v2 =	vperm.xlane v2, v0;
	_ =	sdelay $0x1  }
0x92: {  	v2 =	vadd.s32 v1, v2;
	_ =	sdelay $0x3  }
0x93: {  	s13 =	simm.s32 $0x12800  }
0x94: {  	[tilespmem:s13], [sflag:$0x4] =	stream.indirect_vreg.gather [hbm4b:s5+s3], $0x80, v2, vm0, $0xb8;
	v63 =	vld [tilespmem:$0x0]  }
0x95: {  	s18 =	simm.s32 $0x13000  }
0x96: {  	[tilespmem:s18], [sflag:$0x4] =	stream.indirect_vreg.gather [hbm4b:s11+s3], $0x80, v2, vm0, $0xb8;
	v63 =	vld [tilespmem:$0x0]  }
0x97: {  	s24 =	simm.s32 $0x13800  }
0x98: {  	[tilespmem:s24], [sflag:$0x4] =	stream.indirect_vreg.gather [hbm4b:s12+s3], $0x80, v2, vm0, $0xb8;
	v63 =	vld [tilespmem:$0x0]  }
0x99: {  	s30 =	simm.s32 $0x0;
	s29 =	rddreg [dreg:$0x7];
	s31 =	simm.s32 $0x18800  }
0x9a: {  	[tilespmem:s31], [sflag:$0x4] =	stream.strided.gather [hbm4b:s29+s2], $0x1800, s26, s2, $0x38;
	v63 =	vld [tilespmem:$0x0]  }
.LBB2_2:
0x9b: {  	_ =	swait.ge [sflag:s15], $0x1800  }
0x9c: {  	[sflag:s15] =	ssyncset.done $0x0  }
0x9d: {  	[sflag:s15] =	ssyncadd.s32 $0xFFFFE800  }
0x9e: {  	_ =	swait.ge [sflag:s15], $0x1800  }
0x9f: {  	[sflag:s15] =	ssyncset.done $0x0  }
0xa0: {  	[sflag:s15] =	ssyncadd.s32 $0xFFFFE800  }
0xa1: {  	_ =	swait.ge [sflag:s15], $0x1800  }
0xa2: {  	p0 =	seq.s32 s30, $0x0;
	[sflag:s15] =	ssyncset.done $0x0  }
0xa3: {  	s0 =	simm.s32 @!p0 $0x5;
	[sflag:s15] =	ssyncadd.s32 $0xFFFFE800  }
0xa4: {  	s8 =	simm.s32 $0x0;
	_ =	swait.ge @!p0 [sflag:s0], $0x1800  }
0xa5: {  	s13 =	sand.u32 $0x70, s8;
	s8 =	sand.u32 $0x1F00, s8;
	[sflag:s0] =	ssyncset.done @!p0 $0x0  }
0xa6: {  	[sflag:s0] =	ssyncadd.s32 @!p0 $0xFFFFE800;
	s0 =	sor.u32 s13, s8  }
0xa7: {  	v4 =	vld [tilespmem:s0+$0x14080]  }
0xa8: {  	v5 =	vld [tilespmem:s0+$0xE080]  }
0xa9: {  	v7 =	vld [tilespmem:s0+$0x14000]  }
0xaa: {  	s24 =	simm.s32 $0x10;
	s29 =	simm.s32 $0x20;
	v6 =	vld [tilespmem:s0+$0x8080]  }
0xab: {  	s8 =	sand.u32 $0x70, s24;
	s13 =	sand.u32 $0x1F00, s29;
	v9 =	vld [tilespmem:s0+$0xE000]  }
0xac: {  	s8 =	sor.u32 s8, s13;
	v2 =	vld [tilespmem:s0+$0x8000]  }
0xad: {  	v3 =	vld [tilespmem:s8+$0x14080];
	v8 =	vmul.f32 v5, v4  }
0xae: {  	v4 =	vld [tilespmem:s8+$0xE080]  }
0xaf: {  	v5 =	vld [tilespmem:s8+$0x14000];
	v8 =	vadd.f32 v8, v6  }
0xb0: {  	s31 =	sshll.u32 s30, $0x2;
	s18 =	simm.s32 $0x40;
	s13 =	simm.s32 $0x20;
	v7 =	vmul.f32 v9, v7;
	v6 =	vld [tilespmem:s8+$0x8080]  }
.LBB2_3:
0xb1: {  	s24 =	sand.u32 $0x70, s13;
	s1 =	sand.u32 $0x1F00, s18;
	v9 =	vld [tilespmem:s8+$0xE000];
	[tilespmem:s0+$0x1A080] =	vst v8;
	p1 =	sne.s32 s13, $0xBF0  }
.Ltmp2:
0xb2: {  	s13 =	sadd.s32 $0x10, s13;
	s1 =	sor.u32 s24, s1;
	v10 =	vadd.f32 v7, v2;
	v2 =	vld [tilespmem:s8+$0x8000];
	(pc) =	sbr.rel @p1 .LBB2_3-.Ltmp2, $4  }
0xb3: {  	v8 =	vmul.f32 v4, v3;
	v3 =	vld [tilespmem:s1+$0x14080]  }
0xb4: {  	v4 =	vld [tilespmem:s1+$0xE080];
	[tilespmem:s0+$0x1A000] =	vst v10;
	v7 =	vmov v5;
	s0 =	smov.u32 s8;
	s8 =	smov.u32 s1  }
0xb5: {  	v5 =	vld [tilespmem:s8+$0x14000];
	v8 =	vadd.f32 v8, v6  }
0xb6: {  	s18 =	sadd.s32 $0x20, s18;
	v6 =	vld [tilespmem:s8+$0x8080];
	v7 =	vmul.f32 v9, v7  }
0xb7: {  	v9 =	vld [tilespmem:s8+$0xE000]  }
0xb8: {  	[tilespmem:s0+$0x1A080] =	vst v8  }
0xb9: {  	v8 =	vld [tilespmem:s8+$0x8000];
	_ =	sdelay $0x1  }
0xba: {  	v3 =	vmul.f32 v4, v3  }
0xbb: {  	v2 =	vadd.f32 v7, v2;
	v4 =	vmul.f32 v9, v5  }
0xbc: {  	s1 =	sadd.s32 s20, s30;
	v3 =	vadd.f32 v3, v6  }
0xbd: {  	[tilespmem:s0+$0x1A000] =	vst v2;
	s0 =	smul.u32 $0xC00, s1;
	v2 =	vadd.f32 v4, v8  }
0xbe: {  	[tilespmem:s8+$0x1A080] =	vst v3  }
0xbf: {  	s29 =	simm.s32 $0x1A000;
	p1 =	seq.s32 s30, $0x3F;
	s1 =	sadd.s32 s6, s0;
	[tilespmem:s8+$0x1A000] =	vst v2  }
0xc0: {  	[hbm4b:s1+s2] =	stream.strided.scatter [tilespmem:s29], [sflag:$0x5], $0x1800, s26, s2, $0x38;
	v63 =	vld [tilespmem:$0x0]  }
0xc1: {  	s1 =	sadd.s32 @!p1 $0x4, s31  }
0xc2: {  	s8 =	sshll.u32 @!p1 s1, $0x7  }
0xc3: {  	s8 =	sand.u32 @!p1 $0x3FFFFF80, s8  }
0xc4: {  	v2 =	vld.msk @!p1 [tilespmem:s8+$0x0], $0x3;
	_ =	sdelay $0x4  }
0xc5: {  	v3 =	vshrl.u32 @!p1 v2, $0x3  }
0xc6: {  	v3 =	vmul.u32 @!p1 $0xC0, v3  }
0xc7: {  	v4 =	vlaneseq.u32 @!p1;
	v2 =	vand.u32 @!p1 $0x7, v2  }
0xc8: {  	v2 =	vor.u32 @!p1 v2, v3;
	v3 =	vand.u32 @!p1 $0x1, v4;
	v4 =	vshrl.u32 @!p1 v4, $0x1  }
0xc9: {  	v2 =	vperm.xlane @!p1 v2, v3;
	v4 =	vmul.u32 @!p1 $0x8, v4;
	_ =	sdelay $0x1  }
0xca: {  	v2 =	vadd.s32 @!p1 v4, v2;
	_ =	sdelay $0x3  }
0xcb: {  	vm1 =	vmmov @!p1 $0xffff;
	s13 =	simm.s32 @!p1 $0x0;
	s18 =	simm.s32 @!p1 $0x8000  }
0xcc: {  	[tilespmem:s18], [sflag:$0x1] =	stream.indirect_vreg.gather @!p1 [hbm4b:s4+s13], $0x80, v2, vm1, $0xb8;
	v63 =	vld [tilespmem:$0x0]  }
0xcd: {  	s18 =	simm.s32 @!p1 $0x8800  }
0xce: {  	[tilespmem:s18], [sflag:$0x1] =	stream.indirect_vreg.gather @!p1 [hbm4b:s9+s13], $0x80, v2, vm1, $0xb8;
	v63 =	vld [tilespmem:$0x0]  }
0xcf: {  	s18 =	simm.s32 @!p1 $0x9000  }
0xd0: {  	[tilespmem:s18], [sflag:$0x1] =	stream.indirect_vreg.gather @!p1 [hbm4b:s10+s13], $0x80, v2, vm1, $0xb8;
	v63 =	vld [tilespmem:$0x0]  }
0xd1: {  	v2 =	vld.msk @!p1 [tilespmem:s8+$0x0], $0x3;
	_ =	sdelay $0x4  }
0xd2: {  	v5 =	vshrl.u32 @!p1 v2, $0x3  }
0xd3: {  	v5 =	vmul.u32 @!p1 $0xC0, v5  }
0xd4: {  	v2 =	vand.u32 @!p1 $0x7, v2  }
0xd5: {  	v2 =	vor.u32 @!p1 v2, v5  }
0xd6: {  	v2 =	vperm.xlane @!p1 v2, v3;
	_ =	sdelay $0x1  }
0xd7: {  	v2 =	vadd.s32 @!p1 v4, v2;
	_ =	sdelay $0x2  }
0xd8: {  	s1 =	sshll.u32 @!p1 s1, $0x1  }
0xd9: {  	s1 =	sadd.s32 @!p1 s7, s1;
	s8 =	simm.s32 @!p1 $0xE000  }
0xda: {  	[tilespmem:s8], [sflag:$0x1] =	stream.indirect_vreg.gather @!p1 [hbm4b:s5+s13], $0x80, v2, vm1, $0xb8;
	v63 =	vld [tilespmem:$0x0]  }
0xdb: {  	s1 =	sshrl.u32 @!p1 s1, $0x3;
	s8 =	simm.s32 @!p1 $0xE800  }
0xdc: {  	[tilespmem:s8], [sflag:$0x1] =	stream.indirect_vreg.gather @!p1 [hbm4b:s11+s13], $0x80, v2, vm1, $0xb8;
	v63 =	vld [tilespmem:$0x0]  }
0xdd: {  	s1 =	smul.u32 @!p1 $0xC00, s1;
	s8 =	simm.s32 @!p1 $0xF000  }
0xde: {  	[tilespmem:s8], [sflag:$0x1] =	stream.indirect_vreg.gather @!p1 [hbm4b:s12+s13], $0x80, v2, vm1, $0xb8;
	v63 =	vld [tilespmem:$0x0]  }
0xdf: {  	s18 =	simm.s32 @!p1 $0x14000;
	s8 =	rddreg [dreg:$0x1]  }
0xe0: {  	s13 =	simm.s32 @!p1 $0x400;
	s1 =	sadd.s32 @!p1 s8, s1;
	s8 =	simm.s32 @!p1 $0x100  }
0xe1: {  	[tilespmem:s18], [sflag:$0x1] =	stream.strided.gather @!p1 [hbm4b:s1+s8], $0x1800, s13, s8, $0x38;
	v63 =	vld [tilespmem:$0x0]  }
0xe2: {  	_ =	swait.ge [sflag:s19], $0x1800  }
0xe3: {  	[sflag:s19] =	ssyncset.done $0x0  }
0xe4: {  	[sflag:s19] =	ssyncadd.s32 $0xFFFFE800  }
0xe5: {  	_ =	swait.ge [sflag:s19], $0x1800  }
0xe6: {  	[sflag:s19] =	ssyncset.done $0x0  }
0xe7: {  	[sflag:s19] =	ssyncadd.s32 $0xFFFFE800  }
0xe8: {  	_ =	swait.ge [sflag:s19], $0x1800  }
0xe9: {  	[sflag:s19] =	ssyncset.done $0x0  }
0xea: {  	s1 =	simm.s32 @!p0 $0x6;
	[sflag:s19] =	ssyncadd.s32 $0xFFFFE800  }
0xeb: {  	s13 =	simm.s32 $0x0;
	_ =	swait.ge @!p0 [sflag:s1], $0x1800  }
0xec: {  	s18 =	sand.u32 $0x70, s13;
	s8 =	sand.u32 $0x1F00, s13;
	[sflag:s1] =	ssyncset.done @!p0 $0x0  }
0xed: {  	s8 =	sor.u32 s18, s8;
	[sflag:s1] =	ssyncadd.s32 @!p0 $0xFFFFE800  }
0xee: {  	v4 =	vld [tilespmem:s8+$0x15880]  }
0xef: {  	v5 =	vld [tilespmem:s8+$0xF880]  }
0xf0: {  	v7 =	vld [tilespmem:s8+$0x15800]  }
0xf1: {  	s24 =	simm.s32 $0x10;
	s29 =	simm.s32 $0x20;
	v6 =	vld [tilespmem:s8+$0x9880]  }
0xf2: {  	s13 =	sand.u32 $0x1F00, s29;
	s1 =	sand.u32 $0x70, s24;
	v9 =	vld [tilespmem:s8+$0xF800]  }
0xf3: {  	s13 =	sor.u32 s1, s13;
	v2 =	vld [tilespmem:s8+$0x9800]  }
0xf4: {  	v3 =	vld [tilespmem:s13+$0x15880];
	v8 =	vmul.f32 v5, v4  }
0xf5: {  	v4 =	vld [tilespmem:s13+$0xF880]  }
0xf6: {  	v5 =	vld [tilespmem:s13+$0x15800];
	v8 =	vadd.f32 v8, v6  }
0xf7: {  	s18 =	simm.s32 $0x20;
	s24 =	simm.s32 $0x40;
	v7 =	vmul.f32 v9, v7;
	v6 =	vld [tilespmem:s13+$0x9880]  }
.LBB2_5:
0xf8: {  	s1 =	sand.u32 $0x70, s18;
	s29 =	sand.u32 $0x1F00, s24;
	v9 =	vld [tilespmem:s13+$0xF800];
	[tilespmem:s8+$0x1B880] =	vst v8;
	p2 =	sne.s32 s18, $0xBF0  }
.Ltmp3:
0xf9: {  	s18 =	sadd.s32 $0x10, s18;
	s1 =	sor.u32 s1, s29;
	v10 =	vadd.f32 v7, v2;
	v2 =	vld [tilespmem:s13+$0x9800];
	(pc) =	sbr.rel @p2 .LBB2_5-.Ltmp3, $4  }
0xfa: {  	v8 =	vmul.f32 v4, v3;
	v3 =	vld [tilespmem:s1+$0x15880]  }
0xfb: {  	v4 =	vld [tilespmem:s1+$0xF880];
	[tilespmem:s8+$0x1B800] =	vst v10;
	v7 =	vmov v5;
	s8 =	smov.u32 s13;
	s13 =	smov.u32 s1  }
0xfc: {  	v5 =	vld [tilespmem:s13+$0x15800];
	v8 =	vadd.f32 v8, v6  }
0xfd: {  	s24 =	sadd.s32 $0x20, s24;
	v6 =	vld [tilespmem:s13+$0x9880];
	v7 =	vmul.f32 v9, v7  }
0xfe: {  	v9 =	vld [tilespmem:s13+$0xF800]  }
0xff: {  	[tilespmem:s8+$0x1B880] =	vst v8  }
0x100: {  	v8 =	vld [tilespmem:s13+$0x9800];
	_ =	sdelay $0x1  }
0x101: {  	v3 =	vmul.f32 v4, v3  }
0x102: {  	v2 =	vadd.f32 v7, v2;
	v4 =	vmul.f32 v9, v5  }
0x103: {  	v3 =	vadd.f32 v3, v6  }
0x104: {  	[tilespmem:s8+$0x1B800] =	vst v2;
	v2 =	vadd.f32 v4, v8  }
0x105: {  	[tilespmem:s13+$0x1B880] =	vst v3  }
0x106: {  	s1 =	sadd.s32 s0, s21;
	s29 =	simm.s32 $0x1B800;
	[tilespmem:s13+$0x1B800] =	vst v2  }
0x107: {  	[hbm4b:s1+s2] =	stream.strided.scatter [tilespmem:s29], [sflag:$0x6], $0x1800, s26, s2, $0x38;
	v63 =	vld [tilespmem:$0x0]  }
0x108: {  	s1 =	sadd.s32 @!p1 $0x5, s31  }
0x109: {  	s8 =	sshll.u32 @!p1 s1, $0x7  }
0x10a: {  	s8 =	sand.u32 @!p1 $0x3FFFFF80, s8  }
0x10b: {  	v2 =	vld.msk @!p1 [tilespmem:s8+$0x0], $0x3;
	_ =	sdelay $0x4  }
0x10c: {  	v3 =	vshrl.u32 @!p1 v2, $0x3  }
0x10d: {  	v3 =	vmul.u32 @!p1 $0xC0, v3  }
0x10e: {  	v4 =	vlaneseq.u32 @!p1;
	v2 =	vand.u32 @!p1 $0x7, v2  }
0x10f: {  	v2 =	vor.u32 @!p1 v2, v3;
	v3 =	vand.u32 @!p1 $0x1, v4;
	v4 =	vshrl.u32 @!p1 v4, $0x1  }
0x110: {  	v2 =	vperm.xlane @!p1 v2, v3;
	v4 =	vmul.u32 @!p1 $0x8, v4;
	_ =	sdelay $0x1  }
0x111: {  	v2 =	vadd.s32 @!p1 v4, v2;
	_ =	sdelay $0x3  }
0x112: {  	s18 =	simm.s32 @!p1 $0x9800;
	s13 =	simm.s32 @!p1 $0x0  }
0x113: {  	[tilespmem:s18], [sflag:$0x2] =	stream.indirect_vreg.gather @!p1 [hbm4b:s4+s13], $0x80, v2, vm1, $0xb8;
	v63 =	vld [tilespmem:$0x0]  }
0x114: {  	s18 =	simm.s32 @!p1 $0xA000  }
0x115: {  	[tilespmem:s18], [sflag:$0x2] =	stream.indirect_vreg.gather @!p1 [hbm4b:s9+s13], $0x80, v2, vm1, $0xb8;
	v63 =	vld [tilespmem:$0x0]  }
0x116: {  	s18 =	simm.s32 @!p1 $0xA800  }
0x117: {  	[tilespmem:s18], [sflag:$0x2] =	stream.indirect_vreg.gather @!p1 [hbm4b:s10+s13], $0x80, v2, vm1, $0xb8;
	v63 =	vld [tilespmem:$0x0]  }
0x118: {  	v2 =	vld.msk @!p1 [tilespmem:s8+$0x0], $0x3;
	_ =	sdelay $0x4  }
0x119: {  	v5 =	vshrl.u32 @!p1 v2, $0x3  }
0x11a: {  	v5 =	vmul.u32 @!p1 $0xC0, v5  }
0x11b: {  	v2 =	vand.u32 @!p1 $0x7, v2  }
0x11c: {  	v2 =	vor.u32 @!p1 v2, v5  }
0x11d: {  	v2 =	vperm.xlane @!p1 v2, v3;
	_ =	sdelay $0x1  }
0x11e: {  	v2 =	vadd.s32 @!p1 v4, v2;
	_ =	sdelay $0x1  }
0x11f: {  	s1 =	sshll.u32 @!p1 s1, $0x1  }
0x120: {  	s1 =	sadd.s32 @!p1 s7, s1  }
0x121: {  	s1 =	sshrl.u32 @!p1 s1, $0x3;
	s8 =	simm.s32 @!p1 $0xF800  }
0x122: {  	[tilespmem:s8], [sflag:$0x2] =	stream.indirect_vreg.gather @!p1 [hbm4b:s5+s13], $0x80, v2, vm1, $0xb8;
	v63 =	vld [tilespmem:$0x0]  }
0x123: {  	s1 =	smul.u32 @!p1 $0xC00, s1;
	s8 =	simm.s32 @!p1 $0x10000  }
0x124: {  	[tilespmem:s8], [sflag:$0x2] =	stream.indirect_vreg.gather @!p1 [hbm4b:s11+s13], $0x80, v2, vm1, $0xb8;
	v63 =	vld [tilespmem:$0x0]  }
0x125: {  	s1 =	sadd.s32 @!p1 s1, s14;
	s8 =	simm.s32 @!p1 $0x10800  }
0x126: {  	[tilespmem:s8], [sflag:$0x2] =	stream.indirect_vreg.gather @!p1 [hbm4b:s12+s13], $0x80, v2, vm1, $0xb8;
	v63 =	vld [tilespmem:$0x0]  }
0x127: {  	s18 =	simm.s32 @!p1 $0x15800;
	s8 =	simm.s32 @!p1 $0x100;
	s13 =	simm.s32 @!p1 $0x400  }
0x128: {  	[tilespmem:s18], [sflag:$0x2] =	stream.strided.gather @!p1 [hbm4b:s1+s8], $0x1800, s13, s8, $0x38;
	v63 =	vld [tilespmem:$0x0]  }
0x129: {  	_ =	swait.ge [sflag:s25], $0x1800  }
0x12a: {  	[sflag:s25] =	ssyncset.done $0x0  }
0x12b: {  	[sflag:s25] =	ssyncadd.s32 $0xFFFFE800  }
0x12c: {  	_ =	swait.ge [sflag:s25], $0x1800  }
0x12d: {  	[sflag:s25] =	ssyncset.done $0x0  }
0x12e: {  	[sflag:s25] =	ssyncadd.s32 $0xFFFFE800  }
0x12f: {  	_ =	swait.ge [sflag:s25], $0x1800  }
0x130: {  	[sflag:s25] =	ssyncset.done $0x0  }
0x131: {  	s1 =	simm.s32 @!p0 $0x7;
	[sflag:s25] =	ssyncadd.s32 $0xFFFFE800  }
0x132: {  	s13 =	simm.s32 $0x0;
	_ =	swait.ge @!p0 [sflag:s1], $0x1800  }
0x133: {  	s18 =	sand.u32 $0x70, s13;
	s8 =	sand.u32 $0x1F00, s13;
	[sflag:s1] =	ssyncset.done @!p0 $0x0  }
0x134: {  	s8 =	sor.u32 s18, s8;
	[sflag:s1] =	ssyncadd.s32 @!p0 $0xFFFFE800  }
0x135: {  	v4 =	vld [tilespmem:s8+$0x17080]  }
0x136: {  	v5 =	vld [tilespmem:s8+$0x11080]  }
0x137: {  	v7 =	vld [tilespmem:s8+$0x17000]  }
0x138: {  	s24 =	simm.s32 $0x10;
	s29 =	simm.s32 $0x20;
	v6 =	vld [tilespmem:s8+$0xB080]  }
0x139: {  	s13 =	sand.u32 $0x1F00, s29;
	s1 =	sand.u32 $0x70, s24;
	v9 =	vld [tilespmem:s8+$0x11000]  }
0x13a: {  	s13 =	sor.u32 s1, s13;
	v2 =	vld [tilespmem:s8+$0xB000]  }
0x13b: {  	v3 =	vld [tilespmem:s13+$0x17080];
	v8 =	vmul.f32 v5, v4  }
0x13c: {  	v4 =	vld [tilespmem:s13+$0x11080]  }
0x13d: {  	v5 =	vld [tilespmem:s13+$0x17000];
	v8 =	vadd.f32 v8, v6  }
0x13e: {  	s18 =	simm.s32 $0x20;
	s24 =	simm.s32 $0x40;
	v7 =	vmul.f32 v9, v7;
	v6 =	vld [tilespmem:s13+$0xB080]  }
.LBB2_7:
0x13f: {  	s1 =	sand.u32 $0x70, s18;
	s29 =	sand.u32 $0x1F00, s24;
	v9 =	vld [tilespmem:s13+$0x11000];
	[tilespmem:s8+$0x1D080] =	vst v8;
	p2 =	sne.s32 s18, $0xBF0  }
.Ltmp4:
0x140: {  	s18 =	sadd.s32 $0x10, s18;
	s1 =	sor.u32 s1, s29;
	v10 =	vadd.f32 v7, v2;
	v2 =	vld [tilespmem:s13+$0xB000];
	(pc) =	sbr.rel @p2 .LBB2_7-.Ltmp4, $4  }
0x141: {  	v8 =	vmul.f32 v4, v3;
	v3 =	vld [tilespmem:s1+$0x17080]  }
0x142: {  	v4 =	vld [tilespmem:s1+$0x11080];
	[tilespmem:s8+$0x1D000] =	vst v10;
	v7 =	vmov v5;
	s8 =	smov.u32 s13;
	s13 =	smov.u32 s1  }
0x143: {  	v5 =	vld [tilespmem:s13+$0x17000];
	v8 =	vadd.f32 v8, v6  }
0x144: {  	s24 =	sadd.s32 $0x20, s24;
	v6 =	vld [tilespmem:s13+$0xB080];
	v7 =	vmul.f32 v9, v7  }
0x145: {  	v9 =	vld [tilespmem:s13+$0x11000]  }
0x146: {  	[tilespmem:s8+$0x1D080] =	vst v8  }
0x147: {  	v8 =	vld [tilespmem:s13+$0xB000];
	_ =	sdelay $0x1  }
0x148: {  	v3 =	vmul.f32 v4, v3  }
0x149: {  	v2 =	vadd.f32 v7, v2;
	v4 =	vmul.f32 v9, v5  }
0x14a: {  	v3 =	vadd.f32 v3, v6  }
0x14b: {  	[tilespmem:s8+$0x1D000] =	vst v2;
	v2 =	vadd.f32 v4, v8  }
0x14c: {  	[tilespmem:s13+$0x1D080] =	vst v3  }
0x14d: {  	s1 =	sadd.s32 s0, s22;
	s29 =	simm.s32 $0x1D000;
	[tilespmem:s13+$0x1D000] =	vst v2  }
0x14e: {  	[hbm4b:s1+s2] =	stream.strided.scatter [tilespmem:s29], [sflag:$0x7], $0x1800, s26, s2, $0x38;
	v63 =	vld [tilespmem:$0x0]  }
0x14f: {  	s1 =	sadd.s32 @!p1 $0x6, s31  }
0x150: {  	s8 =	sshll.u32 @!p1 s1, $0x7  }
0x151: {  	s8 =	sand.u32 @!p1 $0x3FFFFF80, s8  }
0x152: {  	v2 =	vld.msk @!p1 [tilespmem:s8+$0x0], $0x3;
	_ =	sdelay $0x4  }
0x153: {  	v3 =	vshrl.u32 @!p1 v2, $0x3  }
0x154: {  	v3 =	vmul.u32 @!p1 $0xC0, v3  }
0x155: {  	v4 =	vlaneseq.u32 @!p1;
	v2 =	vand.u32 @!p1 $0x7, v2  }
0x156: {  	v2 =	vor.u32 @!p1 v2, v3;
	v3 =	vand.u32 @!p1 $0x1, v4;
	v4 =	vshrl.u32 @!p1 v4, $0x1  }
0x157: {  	v2 =	vperm.xlane @!p1 v2, v3;
	v4 =	vmul.u32 @!p1 $0x8, v4;
	_ =	sdelay $0x1  }
0x158: {  	v2 =	vadd.s32 @!p1 v4, v2;
	_ =	sdelay $0x3  }
0x159: {  	s18 =	simm.s32 @!p1 $0xB000;
	s13 =	simm.s32 @!p1 $0x0  }
0x15a: {  	[tilespmem:s18], [sflag:$0x3] =	stream.indirect_vreg.gather @!p1 [hbm4b:s4+s13], $0x80, v2, vm1, $0xb8;
	v63 =	vld [tilespmem:$0x0]  }
0x15b: {  	s18 =	simm.s32 @!p1 $0xB800  }
0x15c: {  	[tilespmem:s18], [sflag:$0x3] =	stream.indirect_vreg.gather @!p1 [hbm4b:s9+s13], $0x80, v2, vm1, $0xb8;
	v63 =	vld [tilespmem:$0x0]  }
0x15d: {  	s18 =	simm.s32 @!p1 $0xC000  }
0x15e: {  	[tilespmem:s18], [sflag:$0x3] =	stream.indirect_vreg.gather @!p1 [hbm4b:s10+s13], $0x80, v2, vm1, $0xb8;
	v63 =	vld [tilespmem:$0x0]  }
0x15f: {  	v2 =	vld.msk @!p1 [tilespmem:s8+$0x0], $0x3;
	_ =	sdelay $0x4  }
0x160: {  	v5 =	vshrl.u32 @!p1 v2, $0x3  }
0x161: {  	v5 =	vmul.u32 @!p1 $0xC0, v5  }
0x162: {  	v2 =	vand.u32 @!p1 $0x7, v2  }
0x163: {  	v2 =	vor.u32 @!p1 v2, v5  }
0x164: {  	v2 =	vperm.xlane @!p1 v2, v3;
	_ =	sdelay $0x1  }
0x165: {  	v2 =	vadd.s32 @!p1 v4, v2;
	_ =	sdelay $0x1  }
0x166: {  	s1 =	sshll.u32 @!p1 s1, $0x1  }
0x167: {  	s1 =	sadd.s32 @!p1 s7, s1  }
0x168: {  	s1 =	sshrl.u32 @!p1 s1, $0x3;
	s8 =	simm.s32 @!p1 $0x11000  }
0x169: {  	[tilespmem:s8], [sflag:$0x3] =	stream.indirect_vreg.gather @!p1 [hbm4b:s5+s13], $0x80, v2, vm1, $0xb8;
	v63 =	vld [tilespmem:$0x0]  }
0x16a: {  	s1 =	smul.u32 @!p1 $0xC00, s1;
	s8 =	simm.s32 @!p1 $0x11800  }
0x16b: {  	[tilespmem:s8], [sflag:$0x3] =	stream.indirect_vreg.gather @!p1 [hbm4b:s11+s13], $0x80, v2, vm1, $0xb8;
	v63 =	vld [tilespmem:$0x0]  }
0x16c: {  	s1 =	sadd.s32 @!p1 s1, s16;
	s8 =	simm.s32 @!p1 $0x12000  }
0x16d: {  	[tilespmem:s8], [sflag:$0x3] =	stream.indirect_vreg.gather @!p1 [hbm4b:s12+s13], $0x80, v2, vm1, $0xb8;
	v63 =	vld [tilespmem:$0x0]  }
0x16e: {  	s18 =	simm.s32 @!p1 $0x17000;
	s8 =	simm.s32 @!p1 $0x100;
	s13 =	simm.s32 @!p1 $0x400  }
0x16f: {  	[tilespmem:s18], [sflag:$0x3] =	stream.strided.gather @!p1 [hbm4b:s1+s8], $0x1800, s13, s8, $0x38;
	v63 =	vld [tilespmem:$0x0]  }
0x170: {  	_ =	swait.ge [sflag:s28], $0x1800  }
0x171: {  	[sflag:s28] =	ssyncset.done $0x0  }
0x172: {  	[sflag:s28] =	ssyncadd.s32 $0xFFFFE800  }
0x173: {  	_ =	swait.ge [sflag:s28], $0x1800  }
0x174: {  	[sflag:s28] =	ssyncset.done $0x0  }
0x175: {  	[sflag:s28] =	ssyncadd.s32 $0xFFFFE800  }
0x176: {  	_ =	swait.ge [sflag:s28], $0x1800  }
0x177: {  	[sflag:s28] =	ssyncset.done $0x0  }
0x178: {  	s1 =	simm.s32 @!p0 $0x8;
	[sflag:s28] =	ssyncadd.s32 $0xFFFFE800  }
0x179: {  	s13 =	simm.s32 $0x0;
	_ =	swait.ge @!p0 [sflag:s1], $0x1800  }
0x17a: {  	s18 =	sand.u32 $0x70, s13;
	s8 =	sand.u32 $0x1F00, s13;
	[sflag:s1] =	ssyncset.done @!p0 $0x0  }
0x17b: {  	s8 =	sor.u32 s18, s8;
	[sflag:s1] =	ssyncadd.s32 @!p0 $0xFFFFE800  }
0x17c: {  	v4 =	vld [tilespmem:s8+$0x18880]  }
0x17d: {  	v5 =	vld [tilespmem:s8+$0x12880]  }
0x17e: {  	v7 =	vld [tilespmem:s8+$0x18800]  }
0x17f: {  	s24 =	simm.s32 $0x10;
	s29 =	simm.s32 $0x20;
	v6 =	vld [tilespmem:s8+$0xC880]  }
0x180: {  	s13 =	sand.u32 $0x1F00, s29;
	s1 =	sand.u32 $0x70, s24;
	v9 =	vld [tilespmem:s8+$0x12800]  }
0x181: {  	s13 =	sor.u32 s1, s13;
	v2 =	vld [tilespmem:s8+$0xC800]  }
0x182: {  	v3 =	vld [tilespmem:s13+$0x18880];
	v8 =	vmul.f32 v5, v4  }
0x183: {  	v4 =	vld [tilespmem:s13+$0x12880]  }
0x184: {  	v5 =	vld [tilespmem:s13+$0x18800];
	v8 =	vadd.f32 v8, v6  }
0x185: {  	s18 =	simm.s32 $0x20;
	s24 =	simm.s32 $0x40;
	v7 =	vmul.f32 v9, v7;
	v6 =	vld [tilespmem:s13+$0xC880]  }
.LBB2_9:
0x186: {  	s1 =	sand.u32 $0x70, s18;
	s29 =	sand.u32 $0x1F00, s24;
	v9 =	vld [tilespmem:s13+$0x12800];
	[tilespmem:s8+$0x1E880] =	vst v8;
	p0 =	sne.s32 s18, $0xBF0  }
.Ltmp5:
0x187: {  	s18 =	sadd.s32 $0x10, s18;
	s1 =	sor.u32 s1, s29;
	v10 =	vadd.f32 v7, v2;
	v2 =	vld [tilespmem:s13+$0xC800];
	(pc) =	sbr.rel @p0 .LBB2_9-.Ltmp5, $4  }
0x188: {  	v8 =	vmul.f32 v4, v3;
	v3 =	vld [tilespmem:s1+$0x18880]  }
0x189: {  	v4 =	vld [tilespmem:s1+$0x12880];
	[tilespmem:s8+$0x1E800] =	vst v10;
	v7 =	vmov v5;
	s8 =	smov.u32 s13;
	s13 =	smov.u32 s1  }
0x18a: {  	v5 =	vld [tilespmem:s13+$0x18800];
	v8 =	vadd.f32 v8, v6  }
0x18b: {  	s24 =	sadd.s32 $0x20, s24;
	v6 =	vld [tilespmem:s13+$0xC880];
	v7 =	vmul.f32 v9, v7  }
0x18c: {  	v9 =	vld [tilespmem:s13+$0x12800]  }
0x18d: {  	[tilespmem:s8+$0x1E880] =	vst v8  }
0x18e: {  	v8 =	vld [tilespmem:s13+$0xC800];
	_ =	sdelay $0x1  }
0x18f: {  	v3 =	vmul.f32 v4, v3  }
0x190: {  	v2 =	vadd.f32 v7, v2;
	v62 =	vmul.f32 v9, v5  }
.Ltmp6:
0x191: {  	v3 =	vadd.f32 v3, v6;
	(pc) =	sbr.rel @p1 .LBB2_12-.Ltmp6, $4  }
0x192: {  	[tilespmem:s8+$0x1E800] =	vst v2;
	v2 =	vadd.f32 v62, v8  }
0x193: {  	[tilespmem:s13+$0x1E880] =	vst v3  }
0x194: {  	s0 =	sadd.s32 s0, s23;
	s1 =	simm.s32 $0x1E800;
	[tilespmem:s13+$0x1E800] =	vst v2  }
0x195: {  	[hbm4b:s0+s2] =	stream.strided.scatter [tilespmem:s1], [sflag:$0x8], $0x1800, s26, s2, $0x38;
	v63 =	vld [tilespmem:$0x0]  }
0x196: {  	s0 =	sadd.s32 $0x7, s31  }
0x197: {  	s1 =	sshll.u32 s0, $0x7  }
0x198: {  	s1 =	sand.u32 $0x3FFFFF80, s1  }
0x199: {  	v2 =	vld.msk [tilespmem:s1+$0x0], $0x3;
	_ =	sdelay $0x4  }
0x19a: {  	v3 =	vshrl.u32 v2, $0x3  }
0x19b: {  	v3 =	vmul.u32 $0xC0, v3  }
0x19c: {  	v2 =	vand.u32 $0x7, v2  }
0x19d: {  	v2 =	vor.u32 v2, v3  }
0x19e: {  	v2 =	vperm.xlane v2, v0;
	_ =	sdelay $0x1  }
0x19f: {  	v2 =	vadd.s32 v1, v2;
	_ =	sdelay $0x3  }
0x1a0: {  	s8 =	simm.s32 $0xC800  }
0x1a1: {  	[tilespmem:s8], [sflag:$0x4] =	stream.indirect_vreg.gather [hbm4b:s4+s3], $0x80, v2, vm0, $0xb8;
	v63 =	vld [tilespmem:$0x0]  }
0x1a2: {  	s31 =	simm.s32 $0xD000  }
0x1a3: {  	[tilespmem:s31], [sflag:$0x4] =	stream.indirect_vreg.gather [hbm4b:s9+s3], $0x80, v2, vm0, $0xb8;
	v63 =	vld [tilespmem:$0x0]  }
0x1a4: {  	s13 =	simm.s32 $0xD800  }
0x1a5: {  	[tilespmem:s13], [sflag:$0x4] =	stream.indirect_vreg.gather [hbm4b:s10+s3], $0x80, v2, vm0, $0xb8;
	v63 =	vld [tilespmem:$0x0]  }
0x1a6: {  	v2 =	vld.msk [tilespmem:s1+$0x0], $0x3;
	_ =	sdelay $0x4  }
0x1a7: {  	v3 =	vshrl.u32 v2, $0x3  }
0x1a8: {  	v3 =	vmul.u32 $0xC0, v3  }
0x1a9: {  	v2 =	vand.u32 $0x7, v2  }
0x1aa: {  	v2 =	vor.u32 v2, v3  }
0x1ab: {  	v2 =	vperm.xlane v2, v0;
	_ =	sdelay $0x1  }
0x1ac: {  	v2 =	vadd.s32 v1, v2;
	_ =	sdelay $0x3  }
0x1ad: {  	s18 =	simm.s32 $0x12800;
	s0 =	sshll.u32 s0, $0x1  }
0x1ae: {  	[tilespmem:s18], [sflag:$0x4] =	stream.indirect_vreg.gather [hbm4b:s5+s3], $0x80, v2, vm0, $0xb8;
	v63 =	vld [tilespmem:$0x0]  }
0x1af: {  	s24 =	simm.s32 $0x13000;
	s0 =	sadd.s32 s7, s0  }
0x1b0: {  	[tilespmem:s24], [sflag:$0x4] =	stream.indirect_vreg.gather [hbm4b:s11+s3], $0x80, v2, vm0, $0xb8;
	v63 =	vld [tilespmem:$0x0]  }
.Ltmp7:
0x1b1: {  	s0 =	sshrl.u32 s0, $0x3;
	(pc) =	sbr.rel .LBB2_2-.Ltmp7, $4  }
0x1b2: {  	s29 =	simm.s32 $0x13800;
	s0 =	smul.u32 $0xC00, s0  }
0x1b3: {  	[tilespmem:s29], [sflag:$0x4] =	stream.indirect_vreg.gather [hbm4b:s12+s3], $0x80, v2, vm0, $0xb8;
	v63 =	vld [tilespmem:$0x0]  }
0x1b4: {  	s30 =	sadd.s32 $0x1, s30;
	s0 =	sadd.s32 s0, s17;
	s31 =	simm.s32 $0x18800  }
0x1b5: {  	[tilespmem:s31], [sflag:$0x4] =	stream.strided.gather [hbm4b:s0+s2], $0x1800, s26, s2, $0x38;
	v63 =	vld [tilespmem:$0x0]  }
.LBB2_13:
0x1b6: {  	_ =	sfence.sel $0x180000  }
0x1b7: {  	[bflag:$0x0] =	sbarrier.arrive $0xFFFF  }
0x1b8: {  	_ =	strace $0x90000047  }
0x1b9: {  	s0 =	stileid.u32;
	[bflag:$0x2] =	sbarrier.arrive $0xFFFF  }
0x1ba: {  	p0 =	sne.s32 s0, $0x0;
	s0 =	rddreg [dreg:$0x2]  }
0x1bb: {  	s0 =	sadd.s32 @!p0 $0x100000, s0  }
0x1bc: {  	[sflag:s0] =	ssyncadd.tile.s32 @!p0 $0x1;
	_ =	shalt  }
.Lfunc_end2:
_tile_overlayer_lowered:
.L_overlay_start_2:
0x1bd: {  	(tag) =	ssettag $0x2  }
0x1be: {  	s0 =	rddreg [dreg:$0x0];
	s2 =	stileid.u32  }
0x1bf: {  	s1 =	rddreg [dreg:$0x1];
	p0 =	sne.s32 s2, $0x0  }
0x1c0: {  	s3 =	rddreg [dreg:$0x2];
	[bflag:$0x3] =	sbarrier.arrive $0xFFFF;
	s2 =	simm.s32 @!p0 $0x1C09  }
0x1c1: {  	[timem:s3], [sflag:s2] =	dma.local @!p0 [hbm:s0], s1  }
0x1c2: {  	s0 =	simm.s32 @!p0 $0x9  }
0x1c3: {  	_ =	swait.ge @!p0 [sflag:s0], s1  }
0x1c4: {  	s1 =	ssub.s32 @!p0 $0x0, s1;
	[sflag:s0] =	ssyncset.done @!p0 $0x0  }
0x1c5: {  	[sflag:s0] =	ssyncadd.s32 @!p0 s1  }
0x1c6: {  	[bflag:$0x3] =	sbarrier.arrive $0xFFFF  }
0x1c7: {  	_ =	shalt  }

</sc_bundles>
